<compile_context>
chip_gen: v7x
topology: tpu7x:2x2x1
jax: 0.10.2.dev20260603
libtpu: 0.0.44.dev20260713+nightly
codegen_flags: <defaults>
</compile_context>

<pallas_src>
import functools

import jax
import jax.numpy as jnp
from jax import lax
from jax.experimental import pallas as pl
from jax.experimental.pallas import tpu as pltpu
from jax.experimental.pallas import tpu_sc as plsc

L = 16
K_OUT = 10


def _make_sc_kernel(n_queries: int, n_pts: int):
    info = plsc.get_sparse_core_info()
    nc, ns = info.num_cores, info.num_subcores
    nw = nc * ns
    assert n_queries % (2 * nw) == 0
    qw = n_queries // nw
    nchunk = n_pts // L
    owords = qw * K_OUT

    mesh = plsc.VectorSubcoreMesh(core_axis_name="c", subcore_axis_name="s")

    @functools.partial(
        pl.kernel,
        out_type=(
            jax.ShapeDtypeStruct((n_queries * K_OUT,), jnp.float32),
            jax.ShapeDtypeStruct((n_queries * K_OUT,), jnp.int32),
        ),
        mesh=mesh,
        compiler_params=pltpu.CompilerParams(needs_layout_passes=False),
        scratch_types=[
            pltpu.VMEM((n_pts,), jnp.float32),
            pltpu.VMEM((n_pts,), jnp.float32),
            pltpu.VMEM((n_pts,), jnp.float32),
            pltpu.VMEM((n_pts,), jnp.float32),
            pltpu.VMEM((n_pts,), jnp.float32),
            pltpu.VMEM((qw * 3 + L,), jnp.float32),
            pltpu.VMEM((n_pts,), jnp.float32),
            pltpu.VMEM((n_pts,), jnp.float32),
            pltpu.VMEM((n_pts + L,), jnp.float32),
            pltpu.VMEM((n_pts + L,), jnp.int32),
            pltpu.VMEM((n_pts + L,), jnp.float32),
            pltpu.VMEM((n_pts + L,), jnp.int32),
            pltpu.VMEM((owords + L,), jnp.float32),
            pltpu.VMEM((owords + L,), jnp.int32),
        ],
    )
    def sc_kernel(q_hbm, px_hbm, py_hbm, pz_hbm, p2_hbm, s2_hbm,
                  outw_hbm, outi_hbm,
                  pxv, pyv, pzv, p2v, s2v, qv, dbuf0, dbuf1,
                  candk0, candi0, candk1, candi1, wbuf, ibuf):
        wid = lax.axis_index("s") * nc + lax.axis_index("c")
        pltpu.sync_copy(px_hbm, pxv)
        pltpu.sync_copy(py_hbm, pyv)
        pltpu.sync_copy(pz_hbm, pzv)
        pltpu.sync_copy(p2_hbm, p2v)
        pltpu.sync_copy(s2_hbm, s2v)
        pltpu.sync_copy(q_hbm.at[pl.ds(wid * (qw * 3), qw * 3)],
                        qv.at[pl.ds(0, qw * 3)])

        inf16 = jnp.full((L,), jnp.inf, jnp.float32)
        lanes = lax.iota(jnp.int32, L)

        def topk_weights(i, candk, candi, cnt):
            candk[pl.ds(cnt, L)] = inf16
            candi[pl.ds(cnt, L)] = lanes
            tk, tv = plsc.sort_key_val(candk[pl.ds(0, L)], candi[pl.ds(0, L)])
            nch = (cnt + (L - 1)) // L

            def merge(j, c):
                tk, tv = c
                sk, sv = plsc.sort_key_val(candk[pl.ds(L * j, L)],
                                           candi[pl.ds(L * j, L)])
                rk = lax.rev(sk, (0,))
                rv = lax.rev(sv, (0,))
                sel = tk <= rk
                mk = jnp.minimum(tk, rk)
                mv = jnp.where(sel, tv, rv)
                mk, mv = plsc.sort_key_val(mk, mv)
                return (mk, mv)

            tk, tv = lax.fori_loop(1, nch, merge, (tk, tv))

            s2g = plsc.load_gather(s2v, [tv])
            beta = jnp.exp(-0.5 * jnp.maximum(tk, 0.0) / s2g)
            beta = jnp.where(lanes < K_OUT, beta, 0.0)
            w = beta / (jnp.sum(beta) + 1e-8)
            wbuf[pl.ds(K_OUT * i, L)] = w
            ibuf[pl.ds(K_OUT * i, L)] = tv

        def per_pair(ip, carry):
            i0 = 2 * ip
            qc = qv[pl.ds(3 * i0, L)]
            qbits = plsc.bitcast(qc, jnp.int32)
            rnd = ((qbits >> 16) & 1) + 0x7FFF
            qcb = plsc.bitcast((qbits + rnd) & jnp.int32(-65536), jnp.float32)
            q2_0 = qc[0] * qc[0] + qc[1] * qc[1] + qc[2] * qc[2]
            q2_1 = qc[3] * qc[3] + qc[4] * qc[4] + qc[5] * qc[5]
            ax0 = -2.0 * qcb[0]
            ay0 = -2.0 * qcb[1]
            az0 = -2.0 * qcb[2]
            ax1 = -2.0 * qcb[3]
            ay1 = -2.0 * qcb[4]
            az1 = -2.0 * qcb[5]

            @plsc.parallel_loop(0, nchunk, unroll=2, carry=(inf16, inf16))
            def pass_a(j, c):
                m0, m1 = c
                pxc = pxv[pl.ds(L * j, L)]
                pyc = pyv[pl.ds(L * j, L)]
                pzc = pzv[pl.ds(L * j, L)]
                p2c = p2v[pl.ds(L * j, L)]
                d2_0 = (p2c + q2_0) + (ax0 * pxc + ay0 * pyc + az0 * pzc)
                d2_1 = (p2c + q2_1) + (ax1 * pxc + ay1 * pyc + az1 * pzc)
                dbuf0[pl.ds(L * j, L)] = d2_0
                dbuf1[pl.ds(L * j, L)] = d2_1
                return (jnp.minimum(m0, d2_0), jnp.minimum(m1, d2_1))

            m0, m1 = pass_a
            pivot0 = lax.sort(m0)[K_OUT - 1]
            pivot1 = lax.sort(m1)[K_OUT - 1]

            @plsc.parallel_loop(0, nchunk, unroll=2,
                                carry=(jnp.int32(0), jnp.int32(0)))
            def pass_b(j, c):
                cnt0, cnt1 = c
                idx = lanes + L * j
                d2_0 = dbuf0[pl.ds(L * j, L)]
                d2_1 = dbuf1[pl.ds(L * j, L)]
                msk0 = d2_0 <= pivot0
                msk1 = d2_1 <= pivot1
                n0 = plsc.all_reduce_population_count(msk0)[0]
                n1 = plsc.all_reduce_population_count(msk1)[0]
                plsc.store_compressed(candk0.at[pl.ds(cnt0, L)], d2_0,
                                      mask=msk0)
                plsc.store_compressed(candi0.at[pl.ds(cnt0, L)], idx,
                                      mask=msk0)
                plsc.store_compressed(candk1.at[pl.ds(cnt1, L)], d2_1,
                                      mask=msk1)
                plsc.store_compressed(candi1.at[pl.ds(cnt1, L)], idx,
                                      mask=msk1)
                return (cnt0 + n0, cnt1 + n1)

            cnt0, cnt1 = pass_b

            topk_weights(i0, candk0, candi0, cnt0)
            topk_weights(i0 + 1, candk1, candi1, cnt1)
            return carry

        lax.fori_loop(0, qw // 2, per_pair, jnp.int32(0))

        pltpu.sync_copy(wbuf.at[pl.ds(0, owords)],
                        outw_hbm.at[pl.ds(wid * owords, owords)])
        pltpu.sync_copy(ibuf.at[pl.ds(0, owords)],
                        outi_hbm.at[pl.ds(wid * owords, owords)])

    return sc_kernel


def kernel(query_points, positions, log_sigma, K_neighbors):
    n_queries = query_points.shape[0]
    n_pts = positions.shape[0]
    pbits = lax.bitcast_convert_type(positions, jnp.int32)
    prnd = ((pbits >> 16) & 1) + 0x7FFF
    posb = lax.bitcast_convert_type((pbits + prnd) & jnp.int32(-65536),
                                    jnp.float32)
    px = posb[:, 0]
    py = posb[:, 1]
    pz = posb[:, 2]
    p2 = jnp.sum(positions * positions, axis=1)
    sigma = jnp.exp(log_sigma)
    s2 = sigma * sigma + 1e-8
    qflat = query_points.reshape(-1)

    wflat, iflat = _make_sc_kernel(n_queries, n_pts)(qflat, px, py, pz, p2, s2)
    return (wflat.reshape(n_queries, K_OUT), iflat.reshape(n_queries, K_OUT))

# --- scband reference (transcript-rebuilt; emitter-appended) ---
"""Pipeline reference for scband-control-points-26371099197441 (READ-ONLY COPY).

The authoritative reference and input builder live on the scoring server;
editing this copy changes nothing except your own understanding.
"""

import jax, jax.numpy as jnp
import numpy as np


def _fps(points: np.ndarray, num_samples: int) -> np.ndarray:
    """Farthest Point Sampling (deterministic start at index 0)."""
    N = points.shape[0]
    if num_samples >= N:
        return points.copy()
    selected = [0]
    min_dists = np.full((N,), np.inf, dtype=np.float64)
    pts = points.astype(np.float64)
    for _ in range(num_samples - 1):
        last = pts[selected[-1]][None, :]
        d = ((pts - last) ** 2).sum(axis=1)
        min_dists = np.minimum(min_dists, d)
        selected.append(int(min_dists.argmax()))
    return points[np.array(selected)].copy()


def setup_inputs(seed: int = 0) -> dict:
    rng = np.random.default_rng(0)
    gaussian_means = rng.standard_normal((100000, 3)).astype(np.float32)
    num_points = 1024
    positions = _fps(gaussian_means, num_points).astype(np.float32)
    # init log_sigma from mean of 3-NN distances among control points (as in __init__)
    diff = positions[:, None, :].astype(np.float64) - positions[None, :, :].astype(np.float64)
    dists = np.sqrt((diff ** 2).sum(-1))
    np.fill_diagonal(dists, np.inf)
    knn = np.sort(dists, axis=1)[:, :3]
    log_sigma = np.log(knn.mean(axis=1)).astype(np.float32)

    key = jax.random.key(seed)
    query_points = jax.random.normal(key, (65536, 3), dtype=jnp.float32)
    return {
        "query_points": query_points,
        "positions": jnp.asarray(positions),
        "log_sigma": jnp.asarray(log_sigma),
        "K_neighbors": 10,
    }


def _cdist(a, b):
    a2 = jnp.sum(a * a, axis=1, keepdims=True)
    b2 = jnp.sum(b * b, axis=1)[None, :]
    sq = jnp.maximum(a2 + b2 - 2.0 * (a @ b.T), 0.0)
    return jnp.sqrt(sq)


def reference(query_points, positions, log_sigma, K_neighbors):
    sigma = jnp.exp(log_sigma)
    dists = _cdist(query_points, positions)  # [N, P]
    dists = dists + 0.0 * jnp.asarray(K_neighbors, dtype=dists.dtype)
    K_nb = min(10, positions.shape[0])
    # smallest-K in ascending order == top_k of negated distances
    _, indices = jax.lax.top_k(-dists, K_nb)
    nb_dists = jnp.take_along_axis(dists, indices, axis=1)
    nb_sigma = sigma[indices]
    beta_hat = jnp.exp(-0.5 * nb_dists ** 2 / (nb_sigma ** 2 + 1e-08))
    weights = beta_hat / (beta_hat.sum(axis=1, keepdims=True) + 1e-08)
    return (weights, indices)

if __name__ == "__main__":
    import jax
    _d = setup_inputs()
    print(jax.jit(kernel)(*tuple(_d.values())))

</pallas_src>

<mosaic_0001>
#map = affine_map<(d0, d1) -> (0)>
module attributes {stable_mosaic.version = 14 : i64} {
  func.func @sc_kernel(%arg0: i32, %arg1: i32, %arg2: memref<196608xf32, #tpu.memory_space<hbm>>, %arg3: memref<1024xf32, #tpu.memory_space<hbm>>, %arg4: memref<1024xf32, #tpu.memory_space<hbm>>, %arg5: memref<1024xf32, #tpu.memory_space<hbm>>, %arg6: memref<1024xf32, #tpu.memory_space<hbm>>, %arg7: memref<1024xf32, #tpu.memory_space<hbm>>, %arg8: memref<655360xf32, #tpu.memory_space<hbm>>, %arg9: memref<655360xi32, #tpu.memory_space<hbm>>, %arg10: memref<1024xf32, #tpu.memory_space<vmem>>, %arg11: memref<1024xf32, #tpu.memory_space<vmem>>, %arg12: memref<1024xf32, #tpu.memory_space<vmem>>, %arg13: memref<1024xf32, #tpu.memory_space<vmem>>, %arg14: memref<1024xf32, #tpu.memory_space<vmem>>, %arg15: memref<6160xf32, #tpu.memory_space<vmem>>, %arg16: memref<1024xf32, #tpu.memory_space<vmem>>, %arg17: memref<1024xf32, #tpu.memory_space<vmem>>, %arg18: memref<1040xf32, #tpu.memory_space<vmem>>, %arg19: memref<1040xi32, #tpu.memory_space<vmem>>, %arg20: memref<1040xf32, #tpu.memory_space<vmem>>, %arg21: memref<1040xi32, #tpu.memory_space<vmem>>, %arg22: memref<20496xf32, #tpu.memory_space<vmem>>, %arg23: memref<20496xi32, #tpu.memory_space<vmem>>) attributes {dimension_semantics = [#tpu.dimension_semantics<core_parallel>, #tpu.dimension_semantics<subcore_parallel>], iteration_bounds = array<i64: 2, 16>, scalar_prefetch = 0 : i64, scratch_operands = 14 : i64, tpu.core_type = #tpu.core_type<sc_vector_subcore>, window_params = [{transform_indices = #map}, {transform_indices = #map}, {transform_indices = #map}, {transform_indices = #map}, {transform_indices = #map}, {transform_indices = #map}, {transform_indices = #map}, {transform_indices = #map}]} {
    %mul3A = arith.constant 2 : i32
    %mul3A_0 = arith.muli %arg1, %mul3A : i32
    %add3A = arith.addi %mul3A_0, %arg0 : i32
    "tpu.region"() ({
      %run_scoped3A = tpu.sem_alloc : memref<!tpu.dma_semaphore, #tpu.memory_space<semaphore_mem>>
      tpu.enqueue_dma source(%arg3 : memref<1024xf32, #tpu.memory_space<hbm>>) target(%arg10 : memref<1024xf32, #tpu.memory_space<vmem>>) target_semaphore(%run_scoped3A : memref<!tpu.dma_semaphore, #tpu.memory_space<semaphore_mem>>)
      tpu.wait_dma2 semaphore(%run_scoped3A : memref<!tpu.dma_semaphore, #tpu.memory_space<semaphore_mem>>) src(%arg3 : memref<1024xf32, #tpu.memory_space<hbm>>) dst(%arg10 : memref<1024xf32, #tpu.memory_space<vmem>>)
      tpu.yield
    }) : () -> ()
    "tpu.region"() ({
      %run_scoped3A = tpu.sem_alloc : memref<!tpu.dma_semaphore, #tpu.memory_space<semaphore_mem>>
      tpu.enqueue_dma source(%arg4 : memref<1024xf32, #tpu.memory_space<hbm>>) target(%arg11 : memref<1024xf32, #tpu.memory_space<vmem>>) target_semaphore(%run_scoped3A : memref<!tpu.dma_semaphore, #tpu.memory_space<semaphore_mem>>)
      tpu.wait_dma2 semaphore(%run_scoped3A : memref<!tpu.dma_semaphore, #tpu.memory_space<semaphore_mem>>) src(%arg4 : memref<1024xf32, #tpu.memory_space<hbm>>) dst(%arg11 : memref<1024xf32, #tpu.memory_space<vmem>>)
      tpu.yield
    }) : () -> ()
    "tpu.region"() ({
      %run_scoped3A = tpu.sem_alloc : memref<!tpu.dma_semaphore, #tpu.memory_space<semaphore_mem>>
      tpu.enqueue_dma source(%arg5 : memref<1024xf32, #tpu.memory_space<hbm>>) target(%arg12 : memref<1024xf32, #tpu.memory_space<vmem>>) target_semaphore(%run_scoped3A : memref<!tpu.dma_semaphore, #tpu.memory_space<semaphore_mem>>)
      tpu.wait_dma2 semaphore(%run_scoped3A : memref<!tpu.dma_semaphore, #tpu.memory_space<semaphore_mem>>) src(%arg5 : memref<1024xf32, #tpu.memory_space<hbm>>) dst(%arg12 : memref<1024xf32, #tpu.memory_space<vmem>>)
      tpu.yield
    }) : () -> ()
    "tpu.region"() ({
      %run_scoped3A = tpu.sem_alloc : memref<!tpu.dma_semaphore, #tpu.memory_space<semaphore_mem>>
      tpu.enqueue_dma source(%arg6 : memref<1024xf32, #tpu.memory_space<hbm>>) target(%arg13 : memref<1024xf32, #tpu.memory_space<vmem>>) target_semaphore(%run_scoped3A : memref<!tpu.dma_semaphore, #tpu.memory_space<semaphore_mem>>)
      tpu.wait_dma2 semaphore(%run_scoped3A : memref<!tpu.dma_semaphore, #tpu.memory_space<semaphore_mem>>) src(%arg6 : memref<1024xf32, #tpu.memory_space<hbm>>) dst(%arg13 : memref<1024xf32, #tpu.memory_space<vmem>>)
      tpu.yield
    }) : () -> ()
    "tpu.region"() ({
      %run_scoped3A = tpu.sem_alloc : memref<!tpu.dma_semaphore, #tpu.memory_space<semaphore_mem>>
      tpu.enqueue_dma source(%arg7 : memref<1024xf32, #tpu.memory_space<hbm>>) target(%arg14 : memref<1024xf32, #tpu.memory_space<vmem>>) target_semaphore(%run_scoped3A : memref<!tpu.dma_semaphore, #tpu.memory_space<semaphore_mem>>)
      tpu.wait_dma2 semaphore(%run_scoped3A : memref<!tpu.dma_semaphore, #tpu.memory_space<semaphore_mem>>) src(%arg7 : memref<1024xf32, #tpu.memory_space<hbm>>) dst(%arg14 : memref<1024xf32, #tpu.memory_space<vmem>>)
      tpu.yield
    }) : () -> ()
    %mul3A_1 = arith.constant 6144 : i32
    %mul3A_2 = arith.muli %add3A, %mul3A_1 : i32
    "tpu.region"() ({
      %run_scoped3A = tpu.sem_alloc : memref<!tpu.dma_semaphore, #tpu.memory_space<semaphore_mem>>
      %dma_start3A = arith.constant 0 : i32
      %dma_start3A_13 = tpu.memref_slice %arg15[%dma_start3A] : memref<6160xf32, #tpu.memory_space<vmem>> -> memref<6144xf32, #tpu.memory_space<vmem>>
      %dma_start3A_14 = tpu.memref_slice %arg2[%mul3A_2] : memref<196608xf32, #tpu.memory_space<hbm>> -> memref<6144xf32, #tpu.memory_space<hbm>>
      %dma_start3A_15 = arith.constant 0 : i32
      %dma_start3A_16 = tpu.memref_slice %arg15[%dma_start3A_15] : memref<6160xf32, #tpu.memory_space<vmem>> -> memref<6144xf32, #tpu.memory_space<vmem>>
      %dma_start3A_17 = tpu.memref_slice %arg2[%mul3A_2] : memref<196608xf32, #tpu.memory_space<hbm>> -> memref<6144xf32, #tpu.memory_space<hbm>>
      tpu.enqueue_dma source(%dma_start3A_17 : memref<6144xf32, #tpu.memory_space<hbm>>) target(%dma_start3A_16 : memref<6144xf32, #tpu.memory_space<vmem>>) target_semaphore(%run_scoped3A : memref<!tpu.dma_semaphore, #tpu.memory_space<semaphore_mem>>)
      %dma_wait3A = arith.constant 0 : i32
      %dma_wait3A_18 = tpu.memref_slice %arg15[%dma_wait3A] : memref<6160xf32, #tpu.memory_space<vmem>> -> memref<6144xf32, #tpu.memory_space<vmem>>
      %dma_wait3A_19 = tpu.memref_slice %arg2[%mul3A_2] : memref<196608xf32, #tpu.memory_space<hbm>> -> memref<6144xf32, #tpu.memory_space<hbm>>
      %dma_wait3A_20 = arith.constant 0 : i32
      %dma_wait3A_21 = tpu.memref_slice %arg15[%dma_wait3A_20] : memref<6160xf32, #tpu.memory_space<vmem>> -> memref<6144xf32, #tpu.memory_space<vmem>>
      %dma_wait3A_22 = tpu.memref_slice %arg2[%mul3A_2] : memref<196608xf32, #tpu.memory_space<hbm>> -> memref<6144xf32, #tpu.memory_space<hbm>>
      tpu.wait_dma2 semaphore(%run_scoped3A : memref<!tpu.dma_semaphore, #tpu.memory_space<semaphore_mem>>) src(%dma_wait3A_22 : memref<6144xf32, #tpu.memory_space<hbm>>) dst(%dma_wait3A_21 : memref<6144xf32, #tpu.memory_space<vmem>>)
      tpu.yield
    }) : () -> ()
    %broadcast_in_dim3A = arith.constant 0x7F800000 : f32
    %broadcast_in_dim3A_3 = vector.broadcast %broadcast_in_dim3A : f32 to vector<16xf32>
    %iota3A = tpu.iota {dimensions = array<i32: 0>} : vector<16xi32>
    %scan3A = arith.constant 0 : i32
    %scan3A_4 = arith.constant 0 : i32
    %scan3A_5 = arith.constant 1024 : i32
    %scan3A_6 = arith.addi %scan3A_4, %scan3A_5 : i32
    %scan3A_7 = arith.constant 1 : i32
    scf.for %scan3A_13 = %scan3A_4 to %scan3A_6 step %scan3A_7  : i32 {
      %mul3A_14 = arith.constant 2 : i32
      %mul3A_15 = arith.muli %mul3A_14, %scan3A_13 : i32
      %mul3A_16 = arith.constant 3 : i32
      %mul3A_17 = arith.muli %mul3A_16, %mul3A_15 : i32
      %get3A = arith.index_cast %mul3A_17 : i32 to index
      %get3A_18 = tpu.vector_load %arg15[%get3A] {strides = array<i32>} : memref<6160xf32, #tpu.memory_space<vmem>>, vector<16xf32>,
      %bitcast3A = vector.bitcast %get3A_18 : vector<16xf32> to vector<16xi32>
      %shift_right_arithmetic3A = arith.constant 16 : i32
      %shift_right_arithmetic3A_19 = vector.broadcast %shift_right_arithmetic3A : i32 to vector<16xi32>
      %shift_right_arithmetic3A_20 = arith.shrsi %bitcast3A, %shift_right_arithmetic3A_19 : vector<16xi32>
      %and3A = arith.constant 1 : i32
      %and3A_21 = vector.broadcast %and3A : i32 to vector<16xi32>
      %and3A_22 = arith.andi %shift_right_arithmetic3A_20, %and3A_21 : vector<16xi32>
      %add3A_23 = arith.constant 32767 : i32
      %add3A_24 = vector.broadcast %add3A_23 : i32 to vector<16xi32>
      %add3A_25 = arith.addi %and3A_22, %add3A_24 : vector<16xi32>
      %add3A_26 = arith.addi %bitcast3A, %add3A_25 : vector<16xi32>
      %and3A_27 = arith.constant -65536 : i32
      %and3A_28 = vector.broadcast %and3A_27 : i32 to vector<16xi32>
      %and3A_29 = arith.andi %add3A_26, %and3A_28 : vector<16xi32>
      %bitcast3A_30 = vector.bitcast %and3A_29 : vector<16xi32> to vector<16xf32>
      %slice3A = vector.extract_strided_slice %get3A_18 {offsets = [0], sizes = [1], strides = [1]} : vector<16xf32> to vector<1xf32>
      %squeeze3A = vector.extract %slice3A[0] : f32 from vector<1xf32>
      %slice3A_31 = vector.extract_strided_slice %get3A_18 {offsets = [0], sizes = [1], strides = [1]} : vector<16xf32> to vector<1xf32>
      %squeeze3A_32 = vector.extract %slice3A_31[0] : f32 from vector<1xf32>
      %mul3A_33 = arith.mulf %squeeze3A, %squeeze3A_32 : f32
      %slice3A_34 = vector.extract_strided_slice %get3A_18 {offsets = [1], sizes = [1], strides = [1]} : vector<16xf32> to vector<1xf32>
      %squeeze3A_35 = vector.extract %slice3A_34[0] : f32 from vector<1xf32>
      %slice3A_36 = vector.extract_strided_slice %get3A_18 {offsets = [1], sizes = [1], strides = [1]} : vector<16xf32> to vector<1xf32>
      %squeeze3A_37 = vector.extract %slice3A_36[0] : f32 from vector<1xf32>
      %mul3A_38 = arith.mulf %squeeze3A_35, %squeeze3A_37 : f32
      %add3A_39 = arith.addf %mul3A_33, %mul3A_38 : f32
      %slice3A_40 = vector.extract_strided_slice %get3A_18 {offsets = [2], sizes = [1], strides = [1]} : vector<16xf32> to vector<1xf32>
      %squeeze3A_41 = vector.extract %slice3A_40[0] : f32 from vector<1xf32>
      %slice3A_42 = vector.extract_strided_slice %get3A_18 {offsets = [2], sizes = [1], strides = [1]} : vector<16xf32> to vector<1xf32>
      %squeeze3A_43 = vector.extract %slice3A_42[0] : f32 from vector<1xf32>
      %mul3A_44 = arith.mulf %squeeze3A_41, %squeeze3A_43 : f32
      %add3A_45 = arith.addf %add3A_39, %mul3A_44 : f32
      %slice3A_46 = vector.extract_strided_slice %get3A_18 {offsets = [3], sizes = [1], strides = [1]} : vector<16xf32> to vector<1xf32>
      %squeeze3A_47 = vector.extract %slice3A_46[0] : f32 from vector<1xf32>
      %slice3A_48 = vector.extract_strided_slice %get3A_18 {offsets = [3], sizes = [1], strides = [1]} : vector<16xf32> to vector<1xf32>
      %squeeze3A_49 = vector.extract %slice3A_48[0] : f32 from vector<1xf32>
      %mul3A_50 = arith.mulf %squeeze3A_47, %squeeze3A_49 : f32
      %slice3A_51 = vector.extract_strided_slice %get3A_18 {offsets = [4], sizes = [1], strides = [1]} : vector<16xf32> to vector<1xf32>
      %squeeze3A_52 = vector.extract %slice3A_51[0] : f32 from vector<1xf32>
      %slice3A_53 = vector.extract_strided_slice %get3A_18 {offsets = [4], sizes = [1], strides = [1]} : vector<16xf32> to vector<1xf32>
      %squeeze3A_54 = vector.extract %slice3A_53[0] : f32 from vector<1xf32>
      %mul3A_55 = arith.mulf %squeeze3A_52, %squeeze3A_54 : f32
      %add3A_56 = arith.addf %mul3A_50, %mul3A_55 : f32
      %slice3A_57 = vector.extract_strided_slice %get3A_18 {offsets = [5], sizes = [1], strides = [1]} : vector<16xf32> to vector<1xf32>
      %squeeze3A_58 = vector.extract %slice3A_57[0] : f32 from vector<1xf32>
      %slice3A_59 = vector.extract_strided_slice %get3A_18 {offsets = [5], sizes = [1], strides = [1]} : vector<16xf32> to vector<1xf32>
      %squeeze3A_60 = vector.extract %slice3A_59[0] : f32 from vector<1xf32>
      %mul3A_61 = arith.mulf %squeeze3A_58, %squeeze3A_60 : f32
      %add3A_62 = arith.addf %add3A_56, %mul3A_61 : f32
      %slice3A_63 = vector.extract_strided_slice %bitcast3A_30 {offsets = [0], sizes = [1], strides = [1]} : vector<16xf32> to vector<1xf32>
      %squeeze3A_64 = vector.extract %slice3A_63[0] : f32 from vector<1xf32>
      %mul3A_65 = arith.constant -2.000000e+00 : f32
      %mul3A_66 = arith.mulf %mul3A_65, %squeeze3A_64 : f32
      %slice3A_67 = vector.extract_strided_slice %bitcast3A_30 {offsets = [1], sizes = [1], strides = [1]} : vector<16xf32> to vector<1xf32>
      %squeeze3A_68 = vector.extract %slice3A_67[0] : f32 from vector<1xf32>
      %mul3A_69 = arith.constant -2.000000e+00 : f32
      %mul3A_70 = arith.mulf %mul3A_69, %squeeze3A_68 : f32
      %slice3A_71 = vector.extract_strided_slice %bitcast3A_30 {offsets = [2], sizes = [1], strides = [1]} : vector<16xf32> to vector<1xf32>
      %squeeze3A_72 = vector.extract %slice3A_71[0] : f32 from vector<1xf32>
      %mul3A_73 = arith.constant -2.000000e+00 : f32
      %mul3A_74 = arith.mulf %mul3A_73, %squeeze3A_72 : f32
      %slice3A_75 = vector.extract_strided_slice %bitcast3A_30 {offsets = [3], sizes = [1], strides = [1]} : vector<16xf32> to vector<1xf32>
      %squeeze3A_76 = vector.extract %slice3A_75[0] : f32 from vector<1xf32>
      %mul3A_77 = arith.constant -2.000000e+00 : f32
      %mul3A_78 = arith.mulf %mul3A_77, %squeeze3A_76 : f32
      %slice3A_79 = vector.extract_strided_slice %bitcast3A_30 {offsets = [4], sizes = [1], strides = [1]} : vector<16xf32> to vector<1xf32>
      %squeeze3A_80 = vector.extract %slice3A_79[0] : f32 from vector<1xf32>
      %mul3A_81 = arith.constant -2.000000e+00 : f32
      %mul3A_82 = arith.mulf %mul3A_81, %squeeze3A_80 : f32
      %slice3A_83 = vector.extract_strided_slice %bitcast3A_30 {offsets = [5], sizes = [1], strides = [1]} : vector<16xf32> to vector<1xf32>
      %squeeze3A_84 = vector.extract %slice3A_83[0] : f32 from vector<1xf32>
      %mul3A_85 = arith.constant -2.000000e+00 : f32
      %mul3A_86 = arith.mulf %mul3A_85, %squeeze3A_84 : f32
      %parallel_loop3A = arith.constant 0 : i32
      %parallel_loop3A_87 = arith.constant 64 : i32
      %parallel_loop3A_88 = arith.constant 1 : i32
      %parallel_loop3A_89:2 = scf.for %parallel_loop3A_254 = %parallel_loop3A to %parallel_loop3A_87 step %parallel_loop3A_88 iter_args(%parallel_loop3A_255 = %broadcast_in_dim3A_3, %parallel_loop3A_256 = %broadcast_in_dim3A_3) -> (vector<16xf32>, vector<16xf32>)  : i32 {
        %parallel_loop3A_257 = arith.constant 16 : i32
        %parallel_loop3A_258 = arith.muli %parallel_loop3A_257, %parallel_loop3A_254 : i32
        %parallel_loop3A_259 = arith.index_cast %parallel_loop3A_258 : i32 to index
        %parallel_loop3A_260 = tpu.vector_load %arg10[%parallel_loop3A_259] {strides = array<i32>} : memref<1024xf32, #tpu.memory_space<vmem>>, vector<16xf32>,
        %parallel_loop3A_261 = arith.constant 16 : i32
        %parallel_loop3A_262 = arith.muli %parallel_loop3A_261, %parallel_loop3A_254 : i32
        %parallel_loop3A_263 = arith.index_cast %parallel_loop3A_262 : i32 to index
        %parallel_loop3A_264 = tpu.vector_load %arg11[%parallel_loop3A_263] {strides = array<i32>} : memref<1024xf32, #tpu.memory_space<vmem>>, vector<16xf32>,
        %parallel_loop3A_265 = arith.constant 16 : i32
        %parallel_loop3A_266 = arith.muli %parallel_loop3A_265, %parallel_loop3A_254 : i32
        %parallel_loop3A_267 = arith.index_cast %parallel_loop3A_266 : i32 to index
        %parallel_loop3A_268 = tpu.vector_load %arg12[%parallel_loop3A_267] {strides = array<i32>} : memref<1024xf32, #tpu.memory_space<vmem>>, vector<16xf32>,
        %parallel_loop3A_269 = arith.constant 16 : i32
        %parallel_loop3A_270 = arith.muli %parallel_loop3A_269, %parallel_loop3A_254 : i32
        %parallel_loop3A_271 = arith.index_cast %parallel_loop3A_270 : i32 to index
        %parallel_loop3A_272 = tpu.vector_load %arg13[%parallel_loop3A_271] {strides = array<i32>} : memref<1024xf32, #tpu.memory_space<vmem>>, vector<16xf32>,
        %parallel_loop3A_273 = vector.broadcast %add3A_45 : f32 to vector<16xf32>
        %parallel_loop3A_274 = arith.addf %parallel_loop3A_272, %parallel_loop3A_273 : vector<16xf32>
        %parallel_loop3A_275 = vector.broadcast %mul3A_66 : f32 to vector<16xf32>
        %parallel_loop3A_276 = arith.mulf %parallel_loop3A_275, %parallel_loop3A_260 : vector<16xf32>
        %parallel_loop3A_277 = vector.broadcast %mul3A_70 : f32 to vector<16xf32>
        %parallel_loop3A_278 = arith.mulf %parallel_loop3A_277, %parallel_loop3A_264 : vector<16xf32>
        %parallel_loop3A_279 = arith.addf %parallel_loop3A_276, %parallel_loop3A_278 : vector<16xf32>
        %parallel_loop3A_280 = vector.broadcast %mul3A_74 : f32 to vector<16xf32>
        %parallel_loop3A_281 = arith.mulf %parallel_loop3A_280, %parallel_loop3A_268 : vector<16xf32>
        %parallel_loop3A_282 = arith.addf %parallel_loop3A_279, %parallel_loop3A_281 : vector<16xf32>
        %parallel_loop3A_283 = arith.addf %parallel_loop3A_274, %parallel_loop3A_282 : vector<16xf32>
        %parallel_loop3A_284 = vector.broadcast %add3A_62 : f32 to vector<16xf32>
        %parallel_loop3A_285 = arith.addf %parallel_loop3A_272, %parallel_loop3A_284 : vector<16xf32>
        %parallel_loop3A_286 = vector.broadcast %mul3A_78 : f32 to vector<16xf32>
        %parallel_loop3A_287 = arith.mulf %parallel_loop3A_286, %parallel_loop3A_260 : vector<16xf32>
        %parallel_loop3A_288 = vector.broadcast %mul3A_82 : f32 to vector<16xf32>
        %parallel_loop3A_289 = arith.mulf %parallel_loop3A_288, %parallel_loop3A_264 : vector<16xf32>
        %parallel_loop3A_290 = arith.addf %parallel_loop3A_287, %parallel_loop3A_289 : vector<16xf32>
        %parallel_loop3A_291 = vector.broadcast %mul3A_86 : f32 to vector<16xf32>
        %parallel_loop3A_292 = arith.mulf %parallel_loop3A_291, %parallel_loop3A_268 : vector<16xf32>
        %parallel_loop3A_293 = arith.addf %parallel_loop3A_290, %parallel_loop3A_292 : vector<16xf32>
        %parallel_loop3A_294 = arith.addf %parallel_loop3A_285, %parallel_loop3A_293 : vector<16xf32>
        %parallel_loop3A_295 = arith.constant 16 : i32
        %parallel_loop3A_296 = arith.muli %parallel_loop3A_295, %parallel_loop3A_254 : i32
        %parallel_loop3A_297 = arith.index_cast %parallel_loop3A_296 : i32 to index
        %parallel_loop3A_298 = tpu.vector_load %arg16[%parallel_loop3A_297] {strides = array<i32>} : memref<1024xf32, #tpu.memory_space<vmem>>, vector<16xf32>,
        tpu.vector_store %arg16[%parallel_loop3A_297], %parallel_loop3A_283 {strides = array<i32>} : memref<1024xf32, #tpu.memory_space<vmem>>, vector<16xf32>,
        %parallel_loop3A_299 = arith.constant 16 : i32
        %parallel_loop3A_300 = arith.muli %parallel_loop3A_299, %parallel_loop3A_254 : i32
        %parallel_loop3A_301 = arith.index_cast %parallel_loop3A_300 : i32 to index
        %parallel_loop3A_302 = tpu.vector_load %arg17[%parallel_loop3A_301] {strides = array<i32>} : memref<1024xf32, #tpu.memory_space<vmem>>, vector<16xf32>,
        tpu.vector_store %arg17[%parallel_loop3A_301], %parallel_loop3A_294 {strides = array<i32>} : memref<1024xf32, #tpu.memory_space<vmem>>, vector<16xf32>,
        %parallel_loop3A_303 = arith.minimumf %parallel_loop3A_255, %parallel_loop3A_283 : vector<16xf32>
        %parallel_loop3A_304 = arith.minimumf %parallel_loop3A_256, %parallel_loop3A_294 : vector<16xf32>
        scf.yield %parallel_loop3A_303, %parallel_loop3A_304 : vector<16xf32>, vector<16xf32>
      } {sc.loop_unroll_factor = 2 : i64, sc.parallel_access}
      %sort3A = arith.constant dense<true> : vector<16xi1>
      %sort3A_90, %sort3A_91, %sort3A_92 = tpu.sort %parallel_loop3A_89#0, %parallel_loop3A_89#0 masked %sort3A : (vector<16xf32>, vector<16xf32>, vector<16xi1>) -> (vector<16xi1>, vector<16xf32>, vector<16xf32>)
      %slice3A_93 = vector.extract_strided_slice %sort3A_91 {offsets = [9], sizes = [1], strides = [1]} : vector<16xf32> to vector<1xf32>
      %squeeze3A_94 = vector.extract %slice3A_93[0] : f32 from vector<1xf32>
      %sort3A_95 = arith.constant dense<true> : vector<16xi1>
      %sort3A_96, %sort3A_97, %sort3A_98 = tpu.sort %parallel_loop3A_89#1, %parallel_loop3A_89#1 masked %sort3A_95 : (vector<16xf32>, vector<16xf32>, vector<16xi1>) -> (vector<16xi1>, vector<16xf32>, vector<16xf32>)
      %slice3A_99 = vector.extract_strided_slice %sort3A_97 {offsets = [9], sizes = [1], strides = [1]} : vector<16xf32> to vector<1xf32>
      %squeeze3A_100 = vector.extract %slice3A_99[0] : f32 from vector<1xf32>
      %parallel_loop3A_101 = arith.constant 0 : i32
      %parallel_loop3A_102 = arith.constant 64 : i32
      %parallel_loop3A_103 = arith.constant 1 : i32
      %parallel_loop3A_104 = arith.constant 0 : i32
      %parallel_loop3A_105 = arith.constant 0 : i32
      %parallel_loop3A_106:2 = scf.for %parallel_loop3A_254 = %parallel_loop3A_101 to %parallel_loop3A_102 step %parallel_loop3A_103 iter_args(%parallel_loop3A_255 = %parallel_loop3A_104, %parallel_loop3A_256 = %parallel_loop3A_105) -> (i32, i32)  : i32 {
        %parallel_loop3A_257 = arith.constant 16 : i32
        %parallel_loop3A_258 = arith.muli %parallel_loop3A_257, %parallel_loop3A_254 : i32
        %parallel_loop3A_259 = vector.broadcast %parallel_loop3A_258 : i32 to vector<16xi32>
        %parallel_loop3A_260 = arith.addi %iota3A, %parallel_loop3A_259 : vector<16xi32>
        %parallel_loop3A_261 = arith.constant 16 : i32
        %parallel_loop3A_262 = arith.muli %parallel_loop3A_261, %parallel_loop3A_254 : i32
        %parallel_loop3A_263 = arith.index_cast %parallel_loop3A_262 : i32 to index
        %parallel_loop3A_264 = tpu.vector_load %arg16[%parallel_loop3A_263] {strides = array<i32>} : memref<1024xf32, #tpu.memory_space<vmem>>, vector<16xf32>,
        %parallel_loop3A_265 = arith.constant 16 : i32
        %parallel_loop3A_266 = arith.muli %parallel_loop3A_265, %parallel_loop3A_254 : i32
        %parallel_loop3A_267 = arith.index_cast %parallel_loop3A_266 : i32 to index
        %parallel_loop3A_268 = tpu.vector_load %arg17[%parallel_loop3A_267] {strides = array<i32>} : memref<1024xf32, #tpu.memory_space<vmem>>, vector<16xf32>,
        %parallel_loop3A_269 = vector.broadcast %squeeze3A_94 : f32 to vector<16xf32>
        %parallel_loop3A_270 = arith.cmpf ole, %parallel_loop3A_264, %parallel_loop3A_269 : vector<16xf32>
        %parallel_loop3A_271 = vector.broadcast %squeeze3A_100 : f32 to vector<16xf32>
        %parallel_loop3A_272 = arith.cmpf ole, %parallel_loop3A_268, %parallel_loop3A_271 : vector<16xf32>
        %parallel_loop3A_273 = tpu.all_reduce %parallel_loop3A_270 {dim = 0 : i64, kind = #tpu.reduction_kind<sum>} : vector<16xi1> -> vector<16xi32>
        %parallel_loop3A_274 = vector.extract_strided_slice %parallel_loop3A_273 {offsets = [0], sizes = [1], strides = [1]} : vector<16xi32> to vector<1xi32>
        %parallel_loop3A_275 = vector.extract %parallel_loop3A_274[0] : i32 from vector<1xi32>
        %parallel_loop3A_276 = tpu.all_reduce %parallel_loop3A_272 {dim = 0 : i64, kind = #tpu.reduction_kind<sum>} : vector<16xi1> -> vector<16xi32>
        %parallel_loop3A_277 = vector.extract_strided_slice %parallel_loop3A_276 {offsets = [0], sizes = [1], strides = [1]} : vector<16xi32> to vector<1xi32>
        %parallel_loop3A_278 = vector.extract %parallel_loop3A_277[0] : i32 from vector<1xi32>
        %parallel_loop3A_279 = arith.index_cast %parallel_loop3A_255 : i32 to index
        %parallel_loop3A_280 = tpu.vector_load %arg18[%parallel_loop3A_279] masked %parallel_loop3A_270 {strides = array<i32>} : memref<1040xf32, #tpu.memory_space<vmem>>, vector<16xf32>, vector<16xi1>
        tpu.vector_store %arg18[%parallel_loop3A_279], %parallel_loop3A_264 masked %parallel_loop3A_270 {strides = array<i32>} : memref<1040xf32, #tpu.memory_space<vmem>>, vector<16xf32>, vector<16xi1>
        %parallel_loop3A_281 = arith.index_cast %parallel_loop3A_255 : i32 to index
        %parallel_loop3A_282 = tpu.vector_load %arg19[%parallel_loop3A_281] masked %parallel_loop3A_270 {strides = array<i32>} : memref<1040xi32, #tpu.memory_space<vmem>>, vector<16xi32>, vector<16xi1>
        tpu.vector_store %arg19[%parallel_loop3A_281], %parallel_loop3A_260 masked %parallel_loop3A_270 {strides = array<i32>} : memref<1040xi32, #tpu.memory_space<vmem>>, vector<16xi32>, vector<16xi1>
        %parallel_loop3A_283 = arith.index_cast %parallel_loop3A_256 : i32 to index
        %parallel_loop3A_284 = tpu.vector_load %arg20[%parallel_loop3A_283] masked %parallel_loop3A_272 {strides = array<i32>} : memref<1040xf32, #tpu.memory_space<vmem>>, vector<16xf32>, vector<16xi1>
        tpu.vector_store %arg20[%parallel_loop3A_283], %parallel_loop3A_268 masked %parallel_loop3A_272 {strides = array<i32>} : memref<1040xf32, #tpu.memory_space<vmem>>, vector<16xf32>, vector<16xi1>
        %parallel_loop3A_285 = arith.index_cast %parallel_loop3A_256 : i32 to index
        %parallel_loop3A_286 = tpu.vector_load %arg21[%parallel_loop3A_285] masked %parallel_loop3A_272 {strides = array<i32>} : memref<1040xi32, #tpu.memory_space<vmem>>, vector<16xi32>, vector<16xi1>
        tpu.vector_store %arg21[%parallel_loop3A_285], %parallel_loop3A_260 masked %parallel_loop3A_272 {strides = array<i32>} : memref<1040xi32, #tpu.memory_space<vmem>>, vector<16xi32>, vector<16xi1>
        %parallel_loop3A_287 = arith.addi %parallel_loop3A_255, %parallel_loop3A_275 : i32
        %parallel_loop3A_288 = arith.addi %parallel_loop3A_256, %parallel_loop3A_278 : i32
        scf.yield %parallel_loop3A_287, %parallel_loop3A_288 : i32, i32
      } {sc.loop_unroll_factor = 2 : i64, sc.parallel_access}
      %swap3A = arith.index_cast %parallel_loop3A_106#0 : i32 to index
      %swap3A_107 = tpu.vector_load %arg18[%swap3A] {strides = array<i32>} : memref<1040xf32, #tpu.memory_space<vmem>>, vector<16xf32>,
      tpu.vector_store %arg18[%swap3A], %broadcast_in_dim3A_3 {strides = array<i32>} : memref<1040xf32, #tpu.memory_space<vmem>>, vector<16xf32>,
      %swap3A_108 = arith.index_cast %parallel_loop3A_106#0 : i32 to index
      %swap3A_109 = tpu.vector_load %arg19[%swap3A_108] {strides = array<i32>} : memref<1040xi32, #tpu.memory_space<vmem>>, vector<16xi32>,
      tpu.vector_store %arg19[%swap3A_108], %iota3A {strides = array<i32>} : memref<1040xi32, #tpu.memory_space<vmem>>, vector<16xi32>,
      %get3A_110 = arith.constant 0 : index
      %get3A_111 = tpu.vector_load %arg18[%get3A_110] {strides = array<i32>} : memref<1040xf32, #tpu.memory_space<vmem>>, vector<16xf32>,
      %get3A_112 = arith.constant 0 : index
      %get3A_113 = tpu.vector_load %arg19[%get3A_112] {strides = array<i32>} : memref<1040xi32, #tpu.memory_space<vmem>>, vector<16xi32>,
      %masked_sort3A = arith.constant dense<true> : vector<16xi1>
      %masked_sort3A_114, %masked_sort3A_115, %masked_sort3A_116 = tpu.sort %get3A_111, %get3A_113 masked %masked_sort3A : (vector<16xf32>, vector<16xi32>, vector<16xi1>) -> (vector<16xi1>, vector<16xf32>, vector<16xi32>)
      %add3A_117 = arith.constant 15 : i32
      %add3A_118 = arith.addi %parallel_loop3A_106#0, %add3A_117 : i32
      %jit3A = arith.constant 16 : i32
      %div3A = arith.divsi %add3A_118, %jit3A : i32
      %sign3A = arith.constant 0 : i32
      %sign3A_119 = arith.cmpi sgt, %add3A_118, %sign3A : i32
      %sign3A_120 = arith.extui %sign3A_119 : i1 to i32
      %sign3A_121 = arith.constant 0 : i32
      %sign3A_122 = arith.cmpi slt, %add3A_118, %sign3A_121 : i32
      %sign3A_123 = arith.extui %sign3A_122 : i1 to i32
      %sign3A_124 = arith.subi %sign3A_120, %sign3A_123 : i32
      %sign3A_125 = arith.constant 0 : i32
      %sign3A_126 = arith.cmpi sgt, %jit3A, %sign3A_125 : i32
      %sign3A_127 = arith.extui %sign3A_126 : i1 to i32
      %sign3A_128 = arith.constant 0 : i32
      %sign3A_129 = arith.cmpi slt, %jit3A, %sign3A_128 : i32
      %sign3A_130 = arith.extui %sign3A_129 : i1 to i32
      %sign3A_131 = arith.subi %sign3A_127, %sign3A_130 : i32
      %ne3A = arith.cmpi ne, %sign3A_124, %sign3A_131 : i32
      %rem3A = arith.remsi %add3A_118, %jit3A : i32
      %ne3A_132 = arith.constant 0 : i32
      %ne3A_133 = arith.cmpi ne, %rem3A, %ne3A_132 : i32
      %and3A_134 = arith.andi %ne3A, %ne3A_133 : i1
      %sub3A = arith.constant 1 : i32
      %sub3A_135 = arith.subi %div3A, %sub3A : i32
      %select_n3A = arith.select %and3A_134, %sub3A_135, %div3A : i32
      %while3A = arith.constant 1 : i32
      %while3A_136 = arith.subi %select_n3A, %while3A : i32
      %while3A_137 = arith.addi %while3A, %while3A_136 : i32
      %while3A_138 = arith.constant 1 : i32
      %while3A_139 = arith.divsi %while3A_136, %while3A_138 : i32
      %while3A_140 = arith.muli %while3A_139, %while3A_138 : i32
      %while3A_141 = arith.addi %while3A, %while3A_140 : i32
      %while3A_142 = arith.constant 1 : i32
      %while3A_143:2 = scf.for %while3A_254 = %while3A to %while3A_141 step %while3A_142 iter_args(%while3A_255 = %masked_sort3A_115, %while3A_256 = %masked_sort3A_116) -> (vector<16xf32>, vector<16xi32>)  : i32 {
        %mul3A_257 = arith.constant 16 : i32
        %mul3A_258 = arith.muli %mul3A_257, %while3A_254 : i32
        %get3A_259 = arith.index_cast %mul3A_258 : i32 to index
        %get3A_260 = tpu.vector_load %arg18[%get3A_259] {strides = array<i32>} : memref<1040xf32, #tpu.memory_space<vmem>>, vector<16xf32>,
        %mul3A_261 = arith.constant 16 : i32
        %mul3A_262 = arith.muli %mul3A_261, %while3A_254 : i32
        %get3A_263 = arith.index_cast %mul3A_262 : i32 to index
        %get3A_264 = tpu.vector_load %arg19[%get3A_263] {strides = array<i32>} : memref<1040xi32, #tpu.memory_space<vmem>>, vector<16xi32>,
        %masked_sort3A_265 = arith.constant dense<true> : vector<16xi1>
        %masked_sort3A_266, %masked_sort3A_267, %masked_sort3A_268 = tpu.sort %get3A_260, %get3A_264 masked %masked_sort3A_265 : (vector<16xf32>, vector<16xi32>, vector<16xi1>) -> (vector<16xi1>, vector<16xf32>, vector<16xi32>)
        %rev3A = arith.constant 15 : i32
        %rev3A_269 = vector.broadcast %rev3A : i32 to vector<16xi32>
        %rev3A_270 = tpu.iota {dimensions = array<i32: 0>} : vector<16xi32>
        %rev3A_271 = arith.subi %rev3A_269, %rev3A_270 : vector<16xi32>
        %rev3A_272 = tpu.dynamic_gather %masked_sort3A_267[%rev3A_271] in [0] : vector<16xf32>, vector<16xi32> -> vector<16xf32>
        %rev3A_273 = arith.constant 15 : i32
        %rev3A_274 = vector.broadcast %rev3A_273 : i32 to vector<16xi32>
        %rev3A_275 = tpu.iota {dimensions = array<i32: 0>} : vector<16xi32>
        %rev3A_276 = arith.subi %rev3A_274, %rev3A_275 : vector<16xi32>
        %rev3A_277 = tpu.dynamic_gather %masked_sort3A_268[%rev3A_276] in [0] : vector<16xi32>, vector<16xi32> -> vector<16xi32>
        %le3A = arith.cmpf ole, %while3A_255, %rev3A_272 : vector<16xf32>
        %min3A = arith.minimumf %while3A_255, %rev3A_272 : vector<16xf32>
        %select_n3A_278 = arith.select %le3A, %while3A_256, %rev3A_277 : vector<16xi1>, vector<16xi32>
        %masked_sort3A_279 = arith.constant dense<true> : vector<16xi1>
        %masked_sort3A_280, %masked_sort3A_281, %masked_sort3A_282 = tpu.sort %min3A, %select_n3A_278 masked %masked_sort3A_279 : (vector<16xf32>, vector<16xi32>, vector<16xi1>) -> (vector<16xi1>, vector<16xf32>, vector<16xi32>)
        scf.yield %masked_sort3A_281, %masked_sort3A_282 : vector<16xf32>, vector<16xi32>
      }
      %while3A_144 = arith.constant 1 : i32
      %while3A_145:2 = scf.for %while3A_254 = %while3A_141 to %while3A_137 step %while3A_144 iter_args(%while3A_255 = %while3A_143#0, %while3A_256 = %while3A_143#1) -> (vector<16xf32>, vector<16xi32>)  : i32 {
        %mul3A_257 = arith.constant 16 : i32
        %mul3A_258 = arith.muli %mul3A_257, %while3A_254 : i32
        %get3A_259 = arith.index_cast %mul3A_258 : i32 to index
        %get3A_260 = tpu.vector_load %arg18[%get3A_259] {strides = array<i32>} : memref<1040xf32, #tpu.memory_space<vmem>>, vector<16xf32>,
        %mul3A_261 = arith.constant 16 : i32
        %mul3A_262 = arith.muli %mul3A_261, %while3A_254 : i32
        %get3A_263 = arith.index_cast %mul3A_262 : i32 to index
        %get3A_264 = tpu.vector_load %arg19[%get3A_263] {strides = array<i32>} : memref<1040xi32, #tpu.memory_space<vmem>>, vector<16xi32>,
        %masked_sort3A_265 = arith.constant dense<true> : vector<16xi1>
        %masked_sort3A_266, %masked_sort3A_267, %masked_sort3A_268 = tpu.sort %get3A_260, %get3A_264 masked %masked_sort3A_265 : (vector<16xf32>, vector<16xi32>, vector<16xi1>) -> (vector<16xi1>, vector<16xf32>, vector<16xi32>)
        %rev3A = arith.constant 15 : i32
        %rev3A_269 = vector.broadcast %rev3A : i32 to vector<16xi32>
        %rev3A_270 = tpu.iota {dimensions = array<i32: 0>} : vector<16xi32>
        %rev3A_271 = arith.subi %rev3A_269, %rev3A_270 : vector<16xi32>
        %rev3A_272 = tpu.dynamic_gather %masked_sort3A_267[%rev3A_271] in [0] : vector<16xf32>, vector<16xi32> -> vector<16xf32>
        %rev3A_273 = arith.constant 15 : i32
        %rev3A_274 = vector.broadcast %rev3A_273 : i32 to vector<16xi32>
        %rev3A_275 = tpu.iota {dimensions = array<i32: 0>} : vector<16xi32>
        %rev3A_276 = arith.subi %rev3A_274, %rev3A_275 : vector<16xi32>
        %rev3A_277 = tpu.dynamic_gather %masked_sort3A_268[%rev3A_276] in [0] : vector<16xi32>, vector<16xi32> -> vector<16xi32>
        %le3A = arith.cmpf ole, %while3A_255, %rev3A_272 : vector<16xf32>
        %min3A = arith.minimumf %while3A_255, %rev3A_272 : vector<16xf32>
        %select_n3A_278 = arith.select %le3A, %while3A_256, %rev3A_277 : vector<16xi1>, vector<16xi32>
        %masked_sort3A_279 = arith.constant dense<true> : vector<16xi1>
        %masked_sort3A_280, %masked_sort3A_281, %masked_sort3A_282 = tpu.sort %min3A, %select_n3A_278 masked %masked_sort3A_279 : (vector<16xf32>, vector<16xi32>, vector<16xi1>) -> (vector<16xi1>, vector<16xf32>, vector<16xi32>)
        scf.yield %masked_sort3A_281, %masked_sort3A_282 : vector<16xf32>, vector<16xi32>
      }
      %gather3A = tpu.vector_load_idx %arg14[%while3A_145#1] : memref<1024xf32, #tpu.memory_space<vmem>>[vector<16xi32>], vector<16xf32>,
      %max3A = arith.constant 0.000000e+00 : f32
      %max3A_146 = vector.broadcast %max3A : f32 to vector<16xf32>
      %max3A_147 = arith.maximumf %while3A_145#0, %max3A_146 : vector<16xf32>
      %mul3A_148 = arith.constant -5.000000e-01 : f32
      %mul3A_149 = vector.broadcast %mul3A_148 : f32 to vector<16xf32>
      %mul3A_150 = arith.mulf %mul3A_149, %max3A_147 : vector<16xf32>
      %div3A_151 = arith.divf %mul3A_150, %gather3A : vector<16xf32>
      %exp3A = math.exp %div3A_151 : vector<16xf32>
      %lt3A = arith.constant 10 : i32
      %lt3A_152 = vector.broadcast %lt3A : i32 to vector<16xi32>
      %lt3A_153 = arith.cmpi slt, %iota3A, %lt3A_152 : vector<16xi32>
      %jit3A_154 = arith.constant 0.000000e+00 : f32
      %broadcast_in_dim3A_155 = vector.broadcast %jit3A_154 : f32 to vector<16xf32>
      %select_n3A_156 = arith.select %lt3A_153, %exp3A, %broadcast_in_dim3A_155 : vector<16xi1>, vector<16xf32>
      %reduce_sum3A = arith.constant true
      %reduce_sum3A_157 = vector.broadcast %reduce_sum3A : i1 to vector<16xi1>
      %reduce_sum3A_158 = tpu.scan <sum>, %select_n3A_156 masked %reduce_sum3A_157 : vector<16xf32>, vector<16xi1> -> vector<16xf32>
      %reduce_sum3A_159 = vector.extract %reduce_sum3A_158[15] : f32 from vector<16xf32>
      %add3A_160 = arith.constant 9.99999993E-9 : f32
      %add3A_161 = arith.addf %reduce_sum3A_159, %add3A_160 : f32
      %div3A_162 = vector.broadcast %add3A_161 : f32 to vector<16xf32>
      %div3A_163 = arith.divf %select_n3A_156, %div3A_162 : vector<16xf32>
      %mul3A_164 = arith.constant 10 : i32
      %mul3A_165 = arith.muli %mul3A_164, %mul3A_15 : i32
      %swap3A_166 = arith.index_cast %mul3A_165 : i32 to index
      %swap3A_167 = tpu.vector_load %arg22[%swap3A_166] {strides = array<i32>} : memref<20496xf32, #tpu.memory_space<vmem>>, vector<16xf32>,
      tpu.vector_store %arg22[%swap3A_166], %div3A_163 {strides = array<i32>} : memref<20496xf32, #tpu.memory_space<vmem>>, vector<16xf32>,
      %mul3A_168 = arith.constant 10 : i32
      %mul3A_169 = arith.muli %mul3A_168, %mul3A_15 : i32
      %swap3A_170 = arith.index_cast %mul3A_169 : i32 to index
      %swap3A_171 = tpu.vector_load %arg23[%swap3A_170] {strides = array<i32>} : memref<20496xi32, #tpu.memory_space<vmem>>, vector<16xi32>,
      tpu.vector_store %arg23[%swap3A_170], %while3A_145#1 {strides = array<i32>} : memref<20496xi32, #tpu.memory_space<vmem>>, vector<16xi32>,
      %add3A_172 = arith.constant 1 : i32
      %add3A_173 = arith.addi %mul3A_15, %add3A_172 : i32
      %swap3A_174 = arith.index_cast %parallel_loop3A_106#1 : i32 to index
      %swap3A_175 = tpu.vector_load %arg20[%swap3A_174] {strides = array<i32>} : memref<1040xf32, #tpu.memory_space<vmem>>, vector<16xf32>,
      tpu.vector_store %arg20[%swap3A_174], %broadcast_in_dim3A_3 {strides = array<i32>} : memref<1040xf32, #tpu.memory_space<vmem>>, vector<16xf32>,
      %swap3A_176 = arith.index_cast %parallel_loop3A_106#1 : i32 to index
      %swap3A_177 = tpu.vector_load %arg21[%swap3A_176] {strides = array<i32>} : memref<1040xi32, #tpu.memory_space<vmem>>, vector<16xi32>,
      tpu.vector_store %arg21[%swap3A_176], %iota3A {strides = array<i32>} : memref<1040xi32, #tpu.memory_space<vmem>>, vector<16xi32>,
      %get3A_178 = arith.constant 0 : index
      %get3A_179 = tpu.vector_load %arg20[%get3A_178] {strides = array<i32>} : memref<1040xf32, #tpu.memory_space<vmem>>, vector<16xf32>,
      %get3A_180 = arith.constant 0 : index
      %get3A_181 = tpu.vector_load %arg21[%get3A_180] {strides = array<i32>} : memref<1040xi32, #tpu.memory_space<vmem>>, vector<16xi32>,
      %masked_sort3A_182 = arith.constant dense<true> : vector<16xi1>
      %masked_sort3A_183, %masked_sort3A_184, %masked_sort3A_185 = tpu.sort %get3A_179, %get3A_181 masked %masked_sort3A_182 : (vector<16xf32>, vector<16xi32>, vector<16xi1>) -> (vector<16xi1>, vector<16xf32>, vector<16xi32>)
      %add3A_186 = arith.constant 15 : i32
      %add3A_187 = arith.addi %parallel_loop3A_106#1, %add3A_186 : i32
      %jit3A_188 = arith.constant 16 : i32
      %div3A_189 = arith.divsi %add3A_187, %jit3A_188 : i32
      %sign3A_190 = arith.constant 0 : i32
      %sign3A_191 = arith.cmpi sgt, %add3A_187, %sign3A_190 : i32
      %sign3A_192 = arith.extui %sign3A_191 : i1 to i32
      %sign3A_193 = arith.constant 0 : i32
      %sign3A_194 = arith.cmpi slt, %add3A_187, %sign3A_193 : i32
      %sign3A_195 = arith.extui %sign3A_194 : i1 to i32
      %sign3A_196 = arith.subi %sign3A_192, %sign3A_195 : i32
      %sign3A_197 = arith.constant 0 : i32
      %sign3A_198 = arith.cmpi sgt, %jit3A_188, %sign3A_197 : i32
      %sign3A_199 = arith.extui %sign3A_198 : i1 to i32
      %sign3A_200 = arith.constant 0 : i32
      %sign3A_201 = arith.cmpi slt, %jit3A_188, %sign3A_200 : i32
      %sign3A_202 = arith.extui %sign3A_201 : i1 to i32
      %sign3A_203 = arith.subi %sign3A_199, %sign3A_202 : i32
      %ne3A_204 = arith.cmpi ne, %sign3A_196, %sign3A_203 : i32
      %rem3A_205 = arith.remsi %add3A_187, %jit3A_188 : i32
      %ne3A_206 = arith.constant 0 : i32
      %ne3A_207 = arith.cmpi ne, %rem3A_205, %ne3A_206 : i32
      %and3A_208 = arith.andi %ne3A_204, %ne3A_207 : i1
      %sub3A_209 = arith.constant 1 : i32
      %sub3A_210 = arith.subi %div3A_189, %sub3A_209 : i32
      %select_n3A_211 = arith.select %and3A_208, %sub3A_210, %div3A_189 : i32
      %while3A_212 = arith.constant 1 : i32
      %while3A_213 = arith.subi %select_n3A_211, %while3A_212 : i32
      %while3A_214 = arith.addi %while3A_212, %while3A_213 : i32
      %while3A_215 = arith.constant 1 : i32
      %while3A_216 = arith.divsi %while3A_213, %while3A_215 : i32
      %while3A_217 = arith.muli %while3A_216, %while3A_215 : i32
      %while3A_218 = arith.addi %while3A_212, %while3A_217 : i32
      %while3A_219 = arith.constant 1 : i32
      %while3A_220:2 = scf.for %while3A_254 = %while3A_212 to %while3A_218 step %while3A_219 iter_args(%while3A_255 = %masked_sort3A_184, %while3A_256 = %masked_sort3A_185) -> (vector<16xf32>, vector<16xi32>)  : i32 {
        %mul3A_257 = arith.constant 16 : i32
        %mul3A_258 = arith.muli %mul3A_257, %while3A_254 : i32
        %get3A_259 = arith.index_cast %mul3A_258 : i32 to index
        %get3A_260 = tpu.vector_load %arg20[%get3A_259] {strides = array<i32>} : memref<1040xf32, #tpu.memory_space<vmem>>, vector<16xf32>,
        %mul3A_261 = arith.constant 16 : i32
        %mul3A_262 = arith.muli %mul3A_261, %while3A_254 : i32
        %get3A_263 = arith.index_cast %mul3A_262 : i32 to index
        %get3A_264 = tpu.vector_load %arg21[%get3A_263] {strides = array<i32>} : memref<1040xi32, #tpu.memory_space<vmem>>, vector<16xi32>,
        %masked_sort3A_265 = arith.constant dense<true> : vector<16xi1>
        %masked_sort3A_266, %masked_sort3A_267, %masked_sort3A_268 = tpu.sort %get3A_260, %get3A_264 masked %masked_sort3A_265 : (vector<16xf32>, vector<16xi32>, vector<16xi1>) -> (vector<16xi1>, vector<16xf32>, vector<16xi32>)
        %rev3A = arith.constant 15 : i32
        %rev3A_269 = vector.broadcast %rev3A : i32 to vector<16xi32>
        %rev3A_270 = tpu.iota {dimensions = array<i32: 0>} : vector<16xi32>
        %rev3A_271 = arith.subi %rev3A_269, %rev3A_270 : vector<16xi32>
        %rev3A_272 = tpu.dynamic_gather %masked_sort3A_267[%rev3A_271] in [0] : vector<16xf32>, vector<16xi32> -> vector<16xf32>
        %rev3A_273 = arith.constant 15 : i32
        %rev3A_274 = vector.broadcast %rev3A_273 : i32 to vector<16xi32>
        %rev3A_275 = tpu.iota {dimensions = array<i32: 0>} : vector<16xi32>
        %rev3A_276 = arith.subi %rev3A_274, %rev3A_275 : vector<16xi32>
        %rev3A_277 = tpu.dynamic_gather %masked_sort3A_268[%rev3A_276] in [0] : vector<16xi32>, vector<16xi32> -> vector<16xi32>
        %le3A = arith.cmpf ole, %while3A_255, %rev3A_272 : vector<16xf32>
        %min3A = arith.minimumf %while3A_255, %rev3A_272 : vector<16xf32>
        %select_n3A_278 = arith.select %le3A, %while3A_256, %rev3A_277 : vector<16xi1>, vector<16xi32>
        %masked_sort3A_279 = arith.constant dense<true> : vector<16xi1>
        %masked_sort3A_280, %masked_sort3A_281, %masked_sort3A_282 = tpu.sort %min3A, %select_n3A_278 masked %masked_sort3A_279 : (vector<16xf32>, vector<16xi32>, vector<16xi1>) -> (vector<16xi1>, vector<16xf32>, vector<16xi32>)
        scf.yield %masked_sort3A_281, %masked_sort3A_282 : vector<16xf32>, vector<16xi32>
      }
      %while3A_221 = arith.constant 1 : i32
      %while3A_222:2 = scf.for %while3A_254 = %while3A_218 to %while3A_214 step %while3A_221 iter_args(%while3A_255 = %while3A_220#0, %while3A_256 = %while3A_220#1) -> (vector<16xf32>, vector<16xi32>)  : i32 {
        %mul3A_257 = arith.constant 16 : i32
        %mul3A_258 = arith.muli %mul3A_257, %while3A_254 : i32
        %get3A_259 = arith.index_cast %mul3A_258 : i32 to index
        %get3A_260 = tpu.vector_load %arg20[%get3A_259] {strides = array<i32>} : memref<1040xf32, #tpu.memory_space<vmem>>, vector<16xf32>,
        %mul3A_261 = arith.constant 16 : i32
        %mul3A_262 = arith.muli %mul3A_261, %while3A_254 : i32
        %get3A_263 = arith.index_cast %mul3A_262 : i32 to index
        %get3A_264 = tpu.vector_load %arg21[%get3A_263] {strides = array<i32>} : memref<1040xi32, #tpu.memory_space<vmem>>, vector<16xi32>,
        %masked_sort3A_265 = arith.constant dense<true> : vector<16xi1>
        %masked_sort3A_266, %masked_sort3A_267, %masked_sort3A_268 = tpu.sort %get3A_260, %get3A_264 masked %masked_sort3A_265 : (vector<16xf32>, vector<16xi32>, vector<16xi1>) -> (vector<16xi1>, vector<16xf32>, vector<16xi32>)
        %rev3A = arith.constant 15 : i32
        %rev3A_269 = vector.broadcast %rev3A : i32 to vector<16xi32>
        %rev3A_270 = tpu.iota {dimensions = array<i32: 0>} : vector<16xi32>
        %rev3A_271 = arith.subi %rev3A_269, %rev3A_270 : vector<16xi32>
        %rev3A_272 = tpu.dynamic_gather %masked_sort3A_267[%rev3A_271] in [0] : vector<16xf32>, vector<16xi32> -> vector<16xf32>
        %rev3A_273 = arith.constant 15 : i32
        %rev3A_274 = vector.broadcast %rev3A_273 : i32 to vector<16xi32>
        %rev3A_275 = tpu.iota {dimensions = array<i32: 0>} : vector<16xi32>
        %rev3A_276 = arith.subi %rev3A_274, %rev3A_275 : vector<16xi32>
        %rev3A_277 = tpu.dynamic_gather %masked_sort3A_268[%rev3A_276] in [0] : vector<16xi32>, vector<16xi32> -> vector<16xi32>
        %le3A = arith.cmpf ole, %while3A_255, %rev3A_272 : vector<16xf32>
        %min3A = arith.minimumf %while3A_255, %rev3A_272 : vector<16xf32>
        %select_n3A_278 = arith.select %le3A, %while3A_256, %rev3A_277 : vector<16xi1>, vector<16xi32>
        %masked_sort3A_279 = arith.constant dense<true> : vector<16xi1>
        %masked_sort3A_280, %masked_sort3A_281, %masked_sort3A_282 = tpu.sort %min3A, %select_n3A_278 masked %masked_sort3A_279 : (vector<16xf32>, vector<16xi32>, vector<16xi1>) -> (vector<16xi1>, vector<16xf32>, vector<16xi32>)
        scf.yield %masked_sort3A_281, %masked_sort3A_282 : vector<16xf32>, vector<16xi32>
      }
      %gather3A_223 = tpu.vector_load_idx %arg14[%while3A_222#1] : memref<1024xf32, #tpu.memory_space<vmem>>[vector<16xi32>], vector<16xf32>,
      %max3A_224 = arith.constant 0.000000e+00 : f32
      %max3A_225 = vector.broadcast %max3A_224 : f32 to vector<16xf32>
      %max3A_226 = arith.maximumf %while3A_222#0, %max3A_225 : vector<16xf32>
      %mul3A_227 = arith.constant -5.000000e-01 : f32
      %mul3A_228 = vector.broadcast %mul3A_227 : f32 to vector<16xf32>
      %mul3A_229 = arith.mulf %mul3A_228, %max3A_226 : vector<16xf32>
      %div3A_230 = arith.divf %mul3A_229, %gather3A_223 : vector<16xf32>
      %exp3A_231 = math.exp %div3A_230 : vector<16xf32>
      %lt3A_232 = arith.constant 10 : i32
      %lt3A_233 = vector.broadcast %lt3A_232 : i32 to vector<16xi32>
      %lt3A_234 = arith.cmpi slt, %iota3A, %lt3A_233 : vector<16xi32>
      %jit3A_235 = arith.constant 0.000000e+00 : f32
      %broadcast_in_dim3A_236 = vector.broadcast %jit3A_235 : f32 to vector<16xf32>
      %select_n3A_237 = arith.select %lt3A_234, %exp3A_231, %broadcast_in_dim3A_236 : vector<16xi1>, vector<16xf32>
      %reduce_sum3A_238 = arith.constant true
      %reduce_sum3A_239 = vector.broadcast %reduce_sum3A_238 : i1 to vector<16xi1>
      %reduce_sum3A_240 = tpu.scan <sum>, %select_n3A_237 masked %reduce_sum3A_239 : vector<16xf32>, vector<16xi1> -> vector<16xf32>
      %reduce_sum3A_241 = vector.extract %reduce_sum3A_240[15] : f32 from vector<16xf32>
      %add3A_242 = arith.constant 9.99999993E-9 : f32
      %add3A_243 = arith.addf %reduce_sum3A_241, %add3A_242 : f32
      %div3A_244 = vector.broadcast %add3A_243 : f32 to vector<16xf32>
      %div3A_245 = arith.divf %select_n3A_237, %div3A_244 : vector<16xf32>
      %mul3A_246 = arith.constant 10 : i32
      %mul3A_247 = arith.muli %mul3A_246, %add3A_173 : i32
      %swap3A_248 = arith.index_cast %mul3A_247 : i32 to index
      %swap3A_249 = tpu.vector_load %arg22[%swap3A_248] {strides = array<i32>} : memref<20496xf32, #tpu.memory_space<vmem>>, vector<16xf32>,
      tpu.vector_store %arg22[%swap3A_248], %div3A_245 {strides = array<i32>} : memref<20496xf32, #tpu.memory_space<vmem>>, vector<16xf32>,
      %mul3A_250 = arith.constant 10 : i32
      %mul3A_251 = arith.muli %mul3A_250, %add3A_173 : i32
      %swap3A_252 = arith.index_cast %mul3A_251 : i32 to index
      %swap3A_253 = tpu.vector_load %arg23[%swap3A_252] {strides = array<i32>} : memref<20496xi32, #tpu.memory_space<vmem>>, vector<16xi32>,
      tpu.vector_store %arg23[%swap3A_252], %while3A_222#1 {strides = array<i32>} : memref<20496xi32, #tpu.memory_space<vmem>>, vector<16xi32>,
    }
    %scan3A_8 = arith.constant 1024 : i32
    %mul3A_9 = arith.constant 20480 : i32
    %mul3A_10 = arith.muli %add3A, %mul3A_9 : i32
    "tpu.region"() ({
      %run_scoped3A = tpu.sem_alloc : memref<!tpu.dma_semaphore, #tpu.memory_space<semaphore_mem>>
      %dma_start3A = arith.constant 0 : i32
      %dma_start3A_13 = tpu.memref_slice %arg22[%dma_start3A] : memref<20496xf32, #tpu.memory_space<vmem>> -> memref<20480xf32, #tpu.memory_space<vmem>>
      %dma_start3A_14 = tpu.memref_slice %arg8[%mul3A_10] : memref<655360xf32, #tpu.memory_space<hbm>> -> memref<20480xf32, #tpu.memory_space<hbm>>
      %dma_start3A_15 = tpu.memref_slice %arg8[%mul3A_10] : memref<655360xf32, #tpu.memory_space<hbm>> -> memref<20480xf32, #tpu.memory_space<hbm>>
      %dma_start3A_16 = arith.constant 0 : i32
      %dma_start3A_17 = tpu.memref_slice %arg22[%dma_start3A_16] : memref<20496xf32, #tpu.memory_space<vmem>> -> memref<20480xf32, #tpu.memory_space<vmem>>
      tpu.enqueue_dma source(%dma_start3A_17 : memref<20480xf32, #tpu.memory_space<vmem>>) target(%dma_start3A_15 : memref<20480xf32, #tpu.memory_space<hbm>>) target_semaphore(%run_scoped3A : memref<!tpu.dma_semaphore, #tpu.memory_space<semaphore_mem>>)
      %dma_wait3A = arith.constant 0 : i32
      %dma_wait3A_18 = tpu.memref_slice %arg22[%dma_wait3A] : memref<20496xf32, #tpu.memory_space<vmem>> -> memref<20480xf32, #tpu.memory_space<vmem>>
      %dma_wait3A_19 = tpu.memref_slice %arg8[%mul3A_10] : memref<655360xf32, #tpu.memory_space<hbm>> -> memref<20480xf32, #tpu.memory_space<hbm>>
      %dma_wait3A_20 = tpu.memref_slice %arg8[%mul3A_10] : memref<655360xf32, #tpu.memory_space<hbm>> -> memref<20480xf32, #tpu.memory_space<hbm>>
      %dma_wait3A_21 = arith.constant 0 : i32
      %dma_wait3A_22 = tpu.memref_slice %arg22[%dma_wait3A_21] : memref<20496xf32, #tpu.memory_space<vmem>> -> memref<20480xf32, #tpu.memory_space<vmem>>
      tpu.wait_dma2 semaphore(%run_scoped3A : memref<!tpu.dma_semaphore, #tpu.memory_space<semaphore_mem>>) src(%dma_wait3A_22 : memref<20480xf32, #tpu.memory_space<vmem>>) dst(%dma_wait3A_20 : memref<20480xf32, #tpu.memory_space<hbm>>)
      tpu.yield
    }) : () -> ()
    %mul3A_11 = arith.constant 20480 : i32
    %mul3A_12 = arith.muli %add3A, %mul3A_11 : i32
    "tpu.region"() ({
      %run_scoped3A = tpu.sem_alloc : memref<!tpu.dma_semaphore, #tpu.memory_space<semaphore_mem>>
      %dma_start3A = arith.constant 0 : i32
      %dma_start3A_13 = tpu.memref_slice %arg23[%dma_start3A] : memref<20496xi32, #tpu.memory_space<vmem>> -> memref<20480xi32, #tpu.memory_space<vmem>>
      %dma_start3A_14 = tpu.memref_slice %arg9[%mul3A_12] : memref<655360xi32, #tpu.memory_space<hbm>> -> memref<20480xi32, #tpu.memory_space<hbm>>
      %dma_start3A_15 = tpu.memref_slice %arg9[%mul3A_12] : memref<655360xi32, #tpu.memory_space<hbm>> -> memref<20480xi32, #tpu.memory_space<hbm>>
      %dma_start3A_16 = arith.constant 0 : i32
      %dma_start3A_17 = tpu.memref_slice %arg23[%dma_start3A_16] : memref<20496xi32, #tpu.memory_space<vmem>> -> memref<20480xi32, #tpu.memory_space<vmem>>
      tpu.enqueue_dma source(%dma_start3A_17 : memref<20480xi32, #tpu.memory_space<vmem>>) target(%dma_start3A_15 : memref<20480xi32, #tpu.memory_space<hbm>>) target_semaphore(%run_scoped3A : memref<!tpu.dma_semaphore, #tpu.memory_space<semaphore_mem>>)
      %dma_wait3A = arith.constant 0 : i32
      %dma_wait3A_18 = tpu.memref_slice %arg23[%dma_wait3A] : memref<20496xi32, #tpu.memory_space<vmem>> -> memref<20480xi32, #tpu.memory_space<vmem>>
      %dma_wait3A_19 = tpu.memref_slice %arg9[%mul3A_12] : memref<655360xi32, #tpu.memory_space<hbm>> -> memref<20480xi32, #tpu.memory_space<hbm>>
      %dma_wait3A_20 = tpu.memref_slice %arg9[%mul3A_12] : memref<655360xi32, #tpu.memory_space<hbm>> -> memref<20480xi32, #tpu.memory_space<hbm>>
      %dma_wait3A_21 = arith.constant 0 : i32
      %dma_wait3A_22 = tpu.memref_slice %arg23[%dma_wait3A_21] : memref<20496xi32, #tpu.memory_space<vmem>> -> memref<20480xi32, #tpu.memory_space<vmem>>
      tpu.wait_dma2 semaphore(%run_scoped3A : memref<!tpu.dma_semaphore, #tpu.memory_space<semaphore_mem>>) src(%dma_wait3A_22 : memref<20480xi32, #tpu.memory_space<vmem>>) dst(%dma_wait3A_20 : memref<20480xi32, #tpu.memory_space<hbm>>)
      tpu.yield
    }) : () -> ()
    return
  }
}

</mosaic_0001>

<sc_bundles>
// kernel: kernel.3.cloned.1.call-start
scs
__scs_entry_jumppad:
0x0: {  	(pc) =	sbr.rel $0x88, $3  }
0x1: {  	(tag) =	ssettag $0x0;
	lr =	simm.s32 $0x1  }
0x2: {  	[smem:$0x3F9E] =	sst lr;
	_ =	strace $0xD0000000  }
0x3: {  	_ = 	snop  }
0x4: {  	_ = 	snop  }
0x5: {  	_ = 	snop  }
0x6: {  	_ = 	snop  }
0x7: {  	_ = 	snop  }
__scs_overlays_trampoline_lowered:
0x8: {  	[smem:$0x3FAD] =	sst s0  }
0x9: {  	[smem:$0x3FAE] =	sst s1  }
0xa: {  	[smem:$0x3FAF] =	sst s2  }
0xb: {  	[smem:$0x3FB0] =	sst s3  }
0xc: {  	[smem:$0x3FB1] =	sst s4  }
0xd: {  	[smem:$0x3FB2] =	sst s5  }
0xe: {  	[smem:$0x3FB3] =	sst s6  }
0xf: {  	[smem:$0x3FB4] =	sst s7  }
0x10: {  	[smem:$0x3FB5] =	sst s8  }
0x11: {  	[smem:$0x3FB6] =	sst s9;
	s0 =	simm.s32 @!p0 $0x0  }
0x12: {  	s1 =	sld [smem:$0x3F9C];
	s0 =	simm.s32 @p0 $0x1  }
0x13: {  	[smem:$0x3FB7] =	sst s0;
	s0 =	simm.s32 @!p1 $0x0  }
0x14: {  	s2 =	sld [smem:$0x3F9B];
	s0 =	simm.s32 @p1 $0x1  }
0x15: {  	[smem:$0x3FB8] =	sst s0;
	s0 =	simm.s32 @!p2 $0x0  }
0x16: {  	s3 =	sld [smem:$0x3FDB];
	s0 =	simm.s32 @p2 $0x1  }
0x17: {  	s4 =	simm.s32 $0x1BF5;
	[smem:$0x3FBA] =	sst s0  }
0x18: {  	s0 =	sld [smem:$0x3F9D];
	_ =	swait.ge [sflag:s4], $0x0  }
0x19: {  	s7 =	sld [smem:$0x3F9E]  }
0x1a: {  	s8 =	sadd.s32 $0xFFFFE003, lr  }
0x1b: {  	s9 =	sadd.s32 $0xFFFFFEF7, lr;
	s5 =	simm.s32 $0xFFFFFFFF;
	p2 =	slt.u32 s8, $0xFFFFF086  }
0x1c: {  	p1 =	slt.u32 s9, $0xF7A;
	s5 =	simm.s32 @!p2 $0x0  }
0x1d: {  	s5 =	simm.s32 @p1 $0x1;
	p0 =	seq.s32 s7, s2  }
0x1e: {  	s7 =	smul.u32 @!p0 $0xF7A, s2;
	p2 =	seq.s32 @!p0 s5, $0x0  }
0x1f: {  	s9 =	smul.u32 $0xF7A, s1;
	s8 =	simm.s32 @!p0 $0x1BF5;
	p2 =	por !p2, p0  }
0x20: {  	[sflag:s8] =	ssyncset.s32 @!p0 $0xFFFFF086;
	s6 =	sadd.s32 @!p0 s3, s7;
	s7 =	simm.s32 @!p0 $0x108  }
0x21: {  	s3 =	sadd.s32 s3, s9;
	s6 =	sadd.s32 @!p0 $0x88, s6;
	s7 =	simm.s32 @p2 $0x1082  }
0x22: {  	[simem:s7], [sflag:s8] =	dma.local @!p0 [hbm:s6], $0xF7A  }
0x23: {  	s9 =	sor.u32 $0xD0000000, s2;
	s6 =	simm.s32 $0x108;
	_ =	swait.ge @!p0 [sflag:s8], $0x0  }
0x24: {  	s3 =	sadd.s32 $0x88, s3;
	s6 =	simm.s32 @!p1 $0x1082;
	[sflag:s4] =	ssyncset.s32 $0xFFFFF086  }
0x25: {  	[simem:s6], [sflag:s4] =	dma.local [hbm:s3], $0xF7A  }
0x26: {  	[smem:$0x3F9E] =	sst s1;
	(tag) =	ssettag s2;
	_ =	strace s9  }
0x27: {  	s1 =	sld [smem:$0x3FAE]  }
0x28: {  	s2 =	sld [smem:$0x3FAF]  }
0x29: {  	s4 =	sld [smem:$0x3FB1]  }
0x2a: {  	p0 =	seq.s32 s5, $0x0;
	s5 =	sld [smem:$0x3FB2]  }
0x2b: {  	s6 =	sld [smem:$0x3FB3]  }
0x2c: {  	s7 =	sld [smem:$0x3FB4]  }
0x2d: {  	s3 =	simm.s32 $0x108;
	s8 =	sld [smem:$0x3FB5]  }
0x2e: {  	s3 =	simm.s32 @!p0 $0x1082;
	s9 =	sld [smem:$0x3FB6]  }
0x2f: {  	lr =	sadd.s32 s0, s3;
	s0 =	sld [smem:$0x3FAD]  }
0x30: {  	s3 =	sld [smem:$0x3FB0]  }
0x31: {  	[smem:$0x3FB9] =	sst s10  }
0x32: {  	s10 =	sld [smem:$0x3FB7];
	_ =	sdelay $0x3  }
0x33: {  	p0 =	seq.s32 s10, $0x1;
	s10 =	sld [smem:$0x3FB9];
	_ =	sdelay $0x3  }
0x34: {  	[smem:$0x3FB9] =	sst s10  }
0x35: {  	s10 =	sld [smem:$0x3FB8];
	_ =	sdelay $0x3  }
0x36: {  	p1 =	seq.s32 s10, $0x1;
	s10 =	sld [smem:$0x3FB9];
	_ =	sdelay $0x3  }
0x37: {  	[smem:$0x3FB9] =	sst s10  }
0x38: {  	s10 =	sld [smem:$0x3FBA]  }
0x39: {  	_ = 	snop;
	(pc) =	sbr.ind lr, $3  }
0x3a: {  	_ = 	snop  }
0x3b: {  	_ = 	snop  }
0x3c: {  	p2 =	seq.s32 s10, $0x1;
	s10 =	sld [smem:$0x3FB9]  }
0x3d: {  	_ =	shalt  }
0x3e: {  	_ =	shalt  }
0x3f: {  	_ =	shalt  }
0x40: {  	_ =	shalt  }
0x41: {  	_ =	shalt  }
0x42: {  	_ =	shalt  }
0x43: {  	_ =	shalt  }
0x44: {  	_ =	shalt  }
0x45: {  	_ =	shalt  }
0x46: {  	_ =	shalt  }
0x47: {  	_ =	shalt  }
0x48: {  	_ =	shalt  }
0x49: {  	_ =	shalt  }
0x4a: {  	_ =	shalt  }
0x4b: {  	_ =	shalt  }
0x4c: {  	_ =	shalt  }
0x4d: {  	_ =	shalt  }
0x4e: {  	_ =	shalt  }
0x4f: {  	_ =	shalt  }
0x50: {  	_ =	shalt  }
0x51: {  	_ =	shalt  }
0x52: {  	_ =	shalt  }
0x53: {  	_ =	shalt  }
0x54: {  	_ =	shalt  }
0x55: {  	_ =	shalt  }
0x56: {  	_ =	shalt  }
0x57: {  	_ =	shalt  }
0x58: {  	_ =	shalt  }
0x59: {  	_ =	shalt  }
0x5a: {  	_ =	shalt  }
0x5b: {  	_ =	shalt  }
0x5c: {  	_ =	shalt  }
0x5d: {  	_ =	shalt  }
0x5e: {  	_ =	shalt  }
0x5f: {  	_ =	shalt  }
0x60: {  	_ =	shalt  }
0x61: {  	_ =	shalt  }
0x62: {  	_ =	shalt  }
0x63: {  	_ =	shalt  }
0x64: {  	_ =	shalt  }
0x65: {  	_ =	shalt  }
0x66: {  	_ =	shalt  }
0x67: {  	_ =	shalt  }
0x68: {  	_ =	shalt  }
0x69: {  	_ =	shalt  }
0x6a: {  	_ =	shalt  }
0x6b: {  	_ =	shalt  }
0x6c: {  	_ =	shalt  }
0x6d: {  	_ =	shalt  }
0x6e: {  	_ =	shalt  }
0x6f: {  	_ =	shalt  }
0x70: {  	_ =	shalt  }
0x71: {  	_ =	shalt  }
0x72: {  	_ =	shalt  }
0x73: {  	_ =	shalt  }
0x74: {  	_ =	shalt  }
0x75: {  	_ =	shalt  }
0x76: {  	_ =	shalt  }
0x77: {  	_ =	shalt  }
0x78: {  	_ =	shalt  }
0x79: {  	_ =	shalt  }
0x7a: {  	_ =	shalt  }
0x7b: {  	_ =	shalt  }
0x7c: {  	_ =	shalt  }
0x7d: {  	_ =	shalt  }
0x7e: {  	_ =	shalt  }
0x7f: {  	_ =	shalt  }
0x80: {  	_ =	shalt  }
0x81: {  	_ =	shalt  }
0x82: {  	_ =	shalt  }
0x83: {  	_ =	shalt  }
0x84: {  	_ =	shalt  }
0x85: {  	_ =	shalt  }
0x86: {  	_ =	shalt  }
0x87: {  	_ =	shalt  }
.Lfunc_end0:
.L_simem_size_0:
called_computation_lowered:
.L_overlay_start_0:
0x88: {  	s2 =	sld [smem:$0x3FD9]  }
0x89: {  	s3 =	sld [smem:$0x3FFE];
	_ =	sdelay $0x1  }
0x8a: {  	s1 =	srdreg.scid  }
0x8b: {  	s0 =	sand.u32 $0x1, s1  }
0x8c: {  	s14 =	sshll.u32 s0, $0xA;
	s2 =	sadd.s32 s3, s2  }
0x8d: {  	s2 =	sadd.s32 s2, s14  }
0x8e: {  	[smem:$0x3FC5] =	sst s2  }
0x8f: {  	_ = 	snop  }
0x90: {  	s2 =	sld [smem:$0x3FD0];
	_ =	sdelay $0x2  }
0x91: {  	s15 =	simm.s32 $0xA;
	s4 =	simm.s32 $0x10  }
0x92: {  	[smem:s4], [sflag:s15] =	dma.local [hbm:s2], $0x1  }
0x93: {  	_ =	swait.eq [sflag:s15], $0x1  }
0x94: {  	[sflag:s15] =	ssyncset.done $0x0  }
0x95: {  	s16 =	sld [smem:$0x10];
	[sflag:s15] =	ssyncadd.s32 $0xFFFFFFFF  }
0x96: {  	s17 =	sld [smem:$0x11];
	(tm) =	ssettm $0x1  }
0x97: {  	s18 =	sld [smem:$0x3FFB];
	_ =	sdelay $0x3  }
0x98: {  	_ =	strace s18  }
0x99: {  	s4 =	sld [smem:$0x3FFC];
	_ =	sdelay $0x3  }
0x9a: {  	_ =	strace s4  }
0x9b: {  	s4 =	sld [smem:$0x3FFD];
	_ =	sdelay $0x3  }
0x9c: {  	_ =	strace s4  }
0x9d: {  	_ =	strace $0x8FFFFFFF  }
0x9e: {  	s19 =	sld [smem:$0x3FDB];
	_ =	sdelay $0x1  }
0x9f: {  	s5 =	simm.s32 $_scs_section_size  }
0xa0: {  	s6 =	simm.s32 $_size__tile_overlayer_lowered;
	s7 =	simm.s32 $_tile_overlayer_lowered  }
0xa1: {  	s22 =	simm.s32 $0x1BFF;
	s21 =	sshll.u32 s7, $0x1;
	s4 =	sadd.s32 s5, s19  }
0xa2: {  	s8 =	simm.s32 $0x0;
	s20 =	sshll.u32 s6, $0x1;
	s6 =	sadd.s32 s21, s4  }
0xa3: {  	[timem:s8], [sflag:s22] =	dma.local [hbm:s6], s20  }
0xa4: {  	_ =	swait.ge [sflag:s22], s20  }
0xa5: {  	s5 =	ssub.s32 $0x0, s20;
	[sflag:s22] =	ssyncset.done $0x0  }
0xa6: {  	[sflag:s22] =	ssyncadd.s32 s5;
	_ =	sdelay $0x1  }
0xa7: {  	s23 =	simm.s32 $0x1B8B  }
0xa8: {  	_ =	swait.ge [sflag:s23], $0x1  }
0xa9: {  	[sflag:s23] =	ssyncset.done $0x0  }
0xaa: {  	s25 =	simm.s32 $0x1B8E;
	s24 =	sld [smem:$0x3FFE];
	[sflag:s23] =	ssyncadd.s32 $0xFFFFFFFF  }
0xab: {  	s26 =	simm.s32 $execute0_lowered;
	[smem:$0x3FD2] =	sst s25  }
0xac: {  	s6 =	sshll.u32 s26, $0x1;
	_ =	strace $0x80000046;
	[dreg:$0x1] =	wrdreg $0xFFFFFFFF  }
0xad: {  	s28 =	simm.s32 $_size_execute0_lowered;
	s4 =	sadd.s32 s4, s6;
	[dreg:$0x0] =	wrdreg $0x0  }
0xae: {  	s6 =	sshll.u32 s28, $0x1;
	[dreg:$0x2] =	wrdreg s4  }
0xaf: {  	[dreg:$0x3] =	wrdreg s6  }
0xb0: {  	[dreg:$0x4] =	wrdreg $0xC0  }
0xb1: {  	_ =	task [dreg:s8], $0x5FFFF  }
0xb2: {  	[dreg:$0x1] =	wrdreg $0xFFFFFFFF  }
0xb3: {  	[dreg:$0x0] =	wrdreg $0x60  }
0xb4: {  	[dreg:$0x2] =	wrdreg s16  }
0xb5: {  	[dreg:$0x3] =	wrdreg s24  }
0xb6: {  	[dreg:$0x4] =	wrdreg s17  }
0xb7: {  	[dreg:$0x5] =	wrdreg $0x9  }
0xb8: {  	_ =	task.clear_ibuf [dreg:s8], $0x6FFFF;
	_ =	strace $0x90000046  }
0xb9: {  	s29 =	simm.s32 $0x9;
	_ =	strace $0x80000048  }
0xba: {  	_ =	swait.ge [sflag:s29], $0x1  }
0xbb: {  	[sflag:s29] =	ssyncadd.s32 $0xFFFFFFFF  }
0xbc: {  	_ =	strace $0x90000048  }
0xbd: {  	_ =	sfence  }
0xbe: {  	s30 =	sld [smem:$0x0];
	_ =	sdelay $0x2  }
0xbf: {  	s31 =	sshll.u32 s1, $0xD;
	s1 =	sshrl.u32 s1, $0x2  }
0xc0: {  	s3 =	sand.u32 $0x4000, s31;
	s1 =	sadd.s32 s1, s30  }
0xc1: {  	s0 =	sor.u32 s3, s0;
	s1 =	sshll.u32 s1, $0x11  }
0xc2: {  	s0 =	sor.u32 s1, s0  }
0xc3: {  	s0 =	sadd.s32 $0x8F2B, s0  }
0xc4: {  	[sflag:s0] =	ssyncadd.remote.s32 $0x1  }
0xc5: {  	_ =	sfence.sel $0xFFFF  }
0xc6: {  	[dreg:$0x0] =	wrdreg $0xFFFFFFFF;
	(pc) =	sbr.abs _section_cstart, $3  }
0xc7: {  	[dreg:$0x1] =	wrdreg $0xFFFFFFFF  }
0xc8: {  	_ =	task.clear_ibuf [dreg:s8], $0x2FFFF;
	_ =	strace $0x9FFFFFFF  }
0xc9: {  	(tm) =	ssettm $0x7FFFFFFF  }
tec
execute0_lowered:
.L_overlay_start_1:
0x0: {  	(tag) =	ssettag $0x1  }
0x1: {  	s8 =	rddreg [dreg:$0x0]  }
0x2: {  	s9 =	rddreg [dreg:$0x1]  }
0x3: {  	s10 =	rddreg [dreg:$0x2]  }
0x4: {  	s0 =	rddreg [dreg:$0x3]  }
0x5: {  	s2 =	simm.s32 $0x0;
	s3 =	srdreg.scid;
	s1 =	stileid.u32  }
0x6: {  	s16 =	simm.s32 $0x1000;
	s17 =	simm.s32 $0x1400;
	s18 =	simm.s32 $0x4680  }
0x7: {  	s19 =	simm.s32 $0x9700;
	s6 =	sand.u32 $0x1, s3;
	s31 =	sshll.u32 s1, $0x1  }
0x8: {  	s20 =	simm.s32 $0x0;
	[smem:$0x7FF] =	sst s2;
	s7 =	sor.u32 s6, s31  }
0x9: {  	s3 =	sadd.s32 $0x1200, s9;
	s4 =	sadd.s32 $0x1000, s9;
	s11 =	smul.u32 $0xA00, s7  }
0xa: {  	s5 =	sadd.s32 $0xE00, s9;
	s12 =	ssub.s32 $0x2, s6;
	s13 =	smul.u32 $0x300, s7  }
.Ltmp0:
0xb: {  	_ =	strace $0x80000047;
	s14 =	sshrl.u32 s12, $0x1;
	(pc) =	sbr.rel .LBB2_1-.Ltmp0, $4  }
0xc: {  	v0 =	vlaneseq.u32;
	s6 =	sadd.s32 $0xC00, s9;
	s7 =	sadd.s32 $0xA00, s9;
	s12 =	ssub.s32 s12, s14  }
0xd: {  	v2 =	vmul.u32 $0xFFFFFFFF, v0;
	s14 =	simm.s32 $0x800;
	s15 =	sadd.s32 s11, s9;
	s8 =	sadd.s32 s8, s13  }
0xe: {  	s9 =	sadd.s32 s10, s11;
	s11 =	smax.u32 s12, $0x1;
	s12 =	simm.s32 $0x1  }
0xf: {  	v1 =	vimm.f32 $+Inf;
	vm0 =	vmmov $0x3ff;
	v2 =	vadd.s32 $0xF, v2;
	s13 =	simm.s32 $0x400;
	s10 =	sadd.s32 $0x1400, s15;
	s15 =	simm.s32 $0xC00  }
.LBB2_23:
0x10: {  	[hbm4b:s9+s2] =	stream.linear.scatter [tilespmem:s18], [sflag:$0x1], $0x5000, $0x38;
	[tilespmem:$0xE780] =	vst v63  }
0x11: {  	s20 =	sadd.s32 $0x1, s20;
	_ =	swait.ge [sflag:s12], $0x5000  }
0x12: {  	p0 =	sne.s32 s20, s11;
	[sflag:s12] =	ssyncset.done $0x0  }
.Ltmp1:
0x13: {  	[sflag:s12] =	ssyncadd.s32 $0xFFFFB000;
	(pc) =	sbr.rel @!p0 .LBB2_24-.Ltmp1, $4  }
0x14: {  	[hbm4b:s10+s2] =	stream.linear.scatter [tilespmem:s19], [sflag:$0x1], $0x5000, $0x38;
	[tilespmem:$0xE780] =	vst v63  }
0x15: {  	_ =	swait.ge [sflag:s12], $0x5000  }
0x16: {  	[sflag:s12] =	ssyncset.done $0x0  }
0x17: {  	[sflag:s12] =	ssyncadd.s32 $0xFFFFB000  }
.LBB2_1:
0x18: {  	[tilespmem:s2], [sflag:$0x1] =	stream.linear.gather [hbm4b:s3+s2], $0x400, $0x38;
	[tilespmem:$0xE780] =	vst v63  }
0x19: {  	_ =	swait.ge [sflag:s12], $0x400  }
0x1a: {  	[sflag:s12] =	ssyncset.done $0x0  }
0x1b: {  	[sflag:s12] =	ssyncadd.s32 $0xFFFFFC00  }
0x1c: {  	[tilespmem:s13], [sflag:$0x1] =	stream.linear.gather [hbm4b:s4+s2], $0x400, $0x38;
	[tilespmem:$0xE780] =	vst v63  }
0x1d: {  	_ =	swait.ge [sflag:s12], $0x400  }
0x1e: {  	[sflag:s12] =	ssyncset.done $0x0  }
0x1f: {  	[sflag:s12] =	ssyncadd.s32 $0xFFFFFC00  }
0x20: {  	[tilespmem:s14], [sflag:$0x1] =	stream.linear.gather [hbm4b:s5+s2], $0x400, $0x38;
	[tilespmem:$0xE780] =	vst v63  }
0x21: {  	_ =	swait.ge [sflag:s12], $0x400  }
0x22: {  	[sflag:s12] =	ssyncset.done $0x0  }
0x23: {  	[sflag:s12] =	ssyncadd.s32 $0xFFFFFC00  }
0x24: {  	[tilespmem:s15], [sflag:$0x1] =	stream.linear.gather [hbm4b:s6+s2], $0x400, $0x38;
	[tilespmem:$0xE780] =	vst v63  }
0x25: {  	_ =	swait.ge [sflag:s12], $0x400  }
0x26: {  	[sflag:s12] =	ssyncset.done $0x0  }
0x27: {  	[sflag:s12] =	ssyncadd.s32 $0xFFFFFC00  }
0x28: {  	[tilespmem:s16], [sflag:$0x1] =	stream.linear.gather [hbm4b:s7+s2], $0x400, $0x38;
	[tilespmem:$0xE780] =	vst v63  }
0x29: {  	_ =	swait.ge [sflag:s12], $0x400  }
0x2a: {  	[sflag:s12] =	ssyncset.done $0x0  }
.Ltmp2:
0x2b: {  	[sflag:s12] =	ssyncadd.s32 $0xFFFFFC00;
	(pc) =	sbr.rel .LBB2_2-.Ltmp2, $4  }
0x2c: {  	[tilespmem:s17], [sflag:$0x1] =	stream.linear.gather [hbm4b:s8+s2], $0x1800, $0x38;
	[tilespmem:$0xE780] =	vst v63  }
0x2d: {  	_ =	swait.ge [sflag:s12], $0x1800  }
0x2e: {  	[sflag:s12] =	ssyncset.done $0x0  }
0x2f: {  	s21 =	simm.s32 $0x0;
	[sflag:s12] =	ssyncadd.s32 $0xFFFFE800  }
.LBB2_16:
0x30: {  	_ = 	snop  }
.LBB2_21:
0x31: {  	v7, v8, _ =	vpop @p0 (xrf1)  }
0x32: {  	v7 =	vperm.xlane @p0 v7, v2;
	v9, v10, _ =	vpop @p1 (xrf1)  }
0x33: {  	v8 =	vperm.xlane @p0 v8, v2;
	v9 =	vpsel p1, v9, v4  }
0x34: {  	v10 =	vpsel p1, v10, v3;
	vm1 =	vle.f32 @p0 v9, v7  }
0x35: {  	(xrf1) =	vsort.ascd.msk.f32 $0xffff, v5, v6;
	v5 =	vmin.f32 @p0 v9, v7;
	v6 =	vsel @p0 vm1, v10, v8  }
0x36: {  	(xrf1) =	vsort.ascd.msk.f32 @p0 $0xffff, v5, v6;
	_ =	sdelay $0xc  }
0x37: {  	v5, v6, _ =	vpop (xrf1)  }
0x38: {  	v5 =	vperm.xlane v5, v2;
	v7, v8, _ =	vpop @p0 (xrf1)  }
0x39: {  	v6 =	vperm.xlane v6, v2;
	v4 =	vpsel p0, v7, v4  }
0x3a: {  	v3 =	vpsel p0, v8, v3;
	vm1 =	vle.f32 v4, v5  }
0x3b: {  	v4 =	vmin.f32 v4, v5;
	v3 =	vsel vm1, v3, v6  }
0x3c: {  	(xrf1) =	vsort.ascd.msk.f32 $0xffff, v4, v3;
	_ =	sdelay $0xd  }
0x3d: {  	v4, v3, _ =	vpop (xrf1)  }
.LBB2_22:
0x3e: {  	_ =	sdelay $0x3  }
0x3f: {  	v5 =	vld.idx.msk [tilespmem:v3+s16+$0x0], $0xffff;
	_ =	sdelay $0x4  }
0x40: {  	(erf) = vrcp.f32 v5;
	_ =	sdelay $0x6  }
0x41: {  	v4 =	vmax.f32 v4, $0.0e+00  }
0x42: {  	v4 =	vmul.f32 $-5.000000000e-01, v4  }
0x43: {  	v5 =	vpop (erf)  }
0x44: {  	v4 =	vmul.f32 v5, v4;
	_ =	sdelay $0x1  }
0x45: {  	v4 =	vmul.f32 $1.442695020e+00, v4;
	_ =	sdelay $0x1  }
0x46: {  	(erf) = vpow2.f32 v4;
	_ =	sdelay $0x8  }
0x47: {  	v4 =	vpop (erf)  }
0x48: {  	v4 =	vnsel vm0, $0x0, v4  }
0x49: {  	(xrf2) =	vadd.scan.msk.f32 $0xffff, v4;
	_ =	sdelay $0x9  }
0x4a: {  	v62, _, _ =	vpop (xrf2)  }
0x4b: {  	(v2sf) =	vpush v62, $0xF;
	_ =	sdelay $0xe  }
0x4c: {  	s23 =	spop (v2sf)  }
0x4d: {  	s23 =	sadd.f32 $9.999999930e-09, s23;
	_ =	sdelay $0x1  }
0x4e: {  	v63 =	vmov s23  }
0x4f: {  	(erf) = vrcp.f32 v63;
	_ =	sdelay $0x5  }
0x50: {  	s21 =	sadd.s32 $0x1, s21  }
0x51: {  	p0 =	sne.s32 s21, $0x400  }
.Ltmp3:
0x52: {  	_ = 	snop;
	(pc) =	sbr.rel @!p0 .LBB2_23-.Ltmp3, $4  }
0x53: {  	v5 =	vpop (erf)  }
0x54: {  	v4 =	vmul.f32 v5, v4  }
0x55: {  	[tilespmem:s22+$0x970A] =	vst v3  }
0x56: {  	[tilespmem:s22+$0x468A] =	vst v4  }
.LBB2_2:
0x57: {  	s22 =	smul.u32 $0x18, s21;
	_ =	sdelay $0x1  }
0x58: {  	s22 =	sshra.s32 s22, $0x2  }
0x59: {  	v3 =	vld [tilespmem:s22+$0x1400];
	_ =	sdelay $0x4  }
0x5a: {  	(v2sf) =	vpush v3, $0x0  }
0x5b: {  	(v2sf) =	vpush v3, $0x1  }
0x5c: {  	v4 =	vshrl.u32 v3, $0x10;
	(v2sf) =	vpush v3, $0x2  }
0x5d: {  	v4 =	vand.u32 $0x1, v4;
	(v2sf) =	vpush v3, $0x3  }
0x5e: {  	v4 =	vadd.s32 v4, v3;
	(v2sf) =	vpush v3, $0x4  }
0x5f: {  	v4 =	vadd.s32 $0x7FFF, v4  }
0x60: {  	v4 =	vand.u32 $0xFFFF0000, v4;
	(v2sf) =	vpush v3, $0x5  }
0x61: {  	(v2sf) =	vpush v4, $0x0  }
0x62: {  	(v2sf) =	vpush v4, $0x1;
	_ =	sdelay $0x1  }
0x63: {  	(v2sf) =	vpush v4, $0x2  }
0x64: {  	(v2sf) =	vpush v4, $0x3  }
0x65: {  	(v2sf) =	vpush v4, $0x4;
	_ =	sdelay $0x2  }
0x66: {  	s31 =	spop (v2sf)  }
0x67: {  	(v2sf) =	vpush v4, $0x5;
	s23 =	spop (v2sf)  }
0x68: {  	s22 =	smul.f32 s31, s31;
	s24 =	spop (v2sf)  }
0x69: {  	s23 =	smul.f32 s23, s23;
	s25 =	spop (v2sf)  }
0x6a: {  	s24 =	smul.f32 s24, s24;
	s26 =	spop (v2sf)  }
0x6b: {  	s22 =	sadd.f32 s23, s22;
	s23 =	smul.f32 s25, s25  }
0x6c: {  	s28 =	spop (v2sf);
	s26 =	smul.f32 s26, s26  }
0x6d: {  	s29 =	spop (v2sf);
	s31 =	smul.f32 s28, s28;
	s28 =	simm.s32 $0x10  }
0x6e: {  	s22 =	sadd.f32 s22, s24;
	s30 =	spop (v2sf);
	v11 =	vld [tilespmem:s28+$0xFFFFFFF0]  }
0x6f: {  	s23 =	sadd.f32 s26, s23;
	s26 =	smul.f32 $-2.000000000e+00, s29;
	v12 =	vld [tilespmem:s28+$0x0];
	s28 =	simm.s32 $0x410  }
0x70: {  	s25 =	spop (v2sf);
	s30 =	smul.f32 $-2.000000000e+00, s30;
	v13 =	vld [tilespmem:s28+$0x0]  }
0x71: {  	v14 =	vld [tilespmem:s28+$0xFFFFFFF0];
	s29 =	spop (v2sf);
	s23 =	sadd.f32 s23, s31  }
0x72: {  	s28 =	simm.s32 $0x810;
	s24 =	smul.f32 $-2.000000000e+00, s25;
	s31 =	spop (v2sf)  }
0x73: {  	v24 =	vimm.f32 $+Inf;
	v3 =	vmov s22;
	v16 =	vld [tilespmem:s28+$0xFFFFFFF0];
	s25 =	smul.f32 $-2.000000000e+00, s31  }
0x74: {  	v15 =	vld [tilespmem:s28+$0x0];
	v7 =	vmov s26;
	s26 =	simm.s32 $0x830;
	s29 =	smul.f32 $-2.000000000e+00, s29;
	v8 =	vmov s30;
	v6 =	vmov s24  }
0x75: {  	v27 =	vld [tilespmem:s26+$0x0];
	v18 =	vmul.f32 v12, v7;
	v9 =	vmov s25;
	v20 =	vmul.f32 v13, v8;
	s25 =	simm.s32 $0x30  }
0x76: {  	v10 =	vmov s29;
	v21 =	vmul.f32 v11, v7;
	v22 =	vmul.f32 v14, v8;
	v26 =	vld [tilespmem:s25+$0x0];
	s31 =	spop (v2sf)  }
0x77: {  	v23 =	vmul.f32 v11, v10;
	v12 =	vmul.f32 v12, v10;
	v18 =	vadd.f32 v20, v18;
	v20 =	vld [tilespmem:s25+$0xFFFFFFF0];
	s22 =	smul.f32 $-2.000000000e+00, s31;
	s31 =	simm.s32 $0xC10  }
0x78: {  	v14 =	vmul.f32 v14, v9;
	v21 =	vadd.f32 v22, v21;
	v22 =	vmul.f32 v16, v6;
	v19 =	vld [tilespmem:s31+$0xFFFFFFF0]  }
0x79: {  	v11 =	vmul.f32 v15, v6;
	v13 =	vmul.f32 v13, v9;
	v17 =	vld [tilespmem:s31+$0x0];
	v5 =	vmov s22  }
0x7a: {  	s31 =	simm.s32 $0x430;
	v21 =	vadd.f32 v22, v21;
	v22 =	vadd.f32 v14, v23;
	v16 =	vmul.f32 v16, v5  }
0x7b: {  	v4 =	vmov s23;
	v13 =	vadd.f32 v13, v12;
	v29 =	vld [tilespmem:s31+$0x0];
	v15 =	vmul.f32 v15, v5  }
0x7c: {  	v18 =	vadd.f32 v11, v18;
	v63 =	vmul.f32 v26, v7;
	v16 =	vadd.f32 v16, v22  }
0x7d: {  	v11 =	vld [tilespmem:s31+$0xFFFFFFF0];
	v12 =	vmul.f32 v20, v10;
	v23 =	vadd.f32 v15, v13;
	v28 =	vadd.f32 v19, v3  }
0x7e: {  	v22 =	vmul.f32 v27, v6;
	v25 =	vadd.f32 v17, v4;
	v17 =	vadd.f32 v17, v3  }
0x7f: {  	s25 =	simm.s32 $0xC30;
	v13 =	vld [tilespmem:s26+$0xFFFFFFF0];
	v15 =	vmul.f32 v26, v10;
	v30 =	vadd.f32 v19, v4;
	v21 =	vadd.f32 v21, v28  }
0x80: {  	s22 =	simm.s32 $0x2C90;
	v19 =	vmul.f32 v20, v7;
	v31 =	vmul.f32 v29, v8;
	v14 =	vadd.f32 v18, v17;
	v18 =	vld [tilespmem:s25+$0x0]  }
0x81: {  	v30 =	vadd.f32 v16, v30;
	v17 =	vmin.f32 v24, v21;
	[tilespmem:s22+$0xFFFFFFF0] =	vst v21;
	v21 =	vadd.f32 v23, v25;
	v23 =	vld [tilespmem:s25+$0xFFFFFFF0]  }
0x82: {  	s28 =	simm.s32 $0x850;
	s30 =	simm.s32 $0x50;
	s23 =	simm.s32 $0x3090;
	v26 =	vmul.f32 v11, v8;
	v20 =	vmul.f32 v29, v9;
	[tilespmem:s22+$0x0] =	vst v14  }
0x83: {  	s24 =	simm.s32 $0x3090;
	s29 =	simm.s32 $0x450;
	s26 =	simm.s32 $0x2;
	v16 =	vmul.f32 v27, v5;
	v25 =	vadd.f32 v31, v63;
	v24 =	vmin.f32 v24, v30;
	[tilespmem:s23+$0xFFFFFFF0] =	vst v30  }
.LBB2_3:
0x84: {  	v27 =	vld [tilespmem:s30+$0xFFFFFFF0];
	s26 =	sadd.s32 $0x2, s26;
	v19 =	vadd.f32 v26, v19;
	v26 =	vmul.f32 v13, v6;
	v17 =	vmin.f32 v17, v14;
	s23 =	sadd.s32 $0x20, s23;
	s22 =	sadd.s32 $0x20, s22  }
0x85: {  	v24 =	vmin.f32 v24, v21;
	v28 =	vld [tilespmem:s28+$0x0];
	p0 =	slt.u32 s26, $0x3E;
	v14 =	vadd.f32 v22, v25;
	v25 =	vadd.f32 v18, v4;
	[tilespmem:s24+$0x0] =	vst v21;
	s24 =	smov.u32 s23  }
0x86: {  	v21 =	vld [tilespmem:s30+$0x0];
	v22 =	vadd.f32 v23, v3;
	v19 =	vadd.f32 v26, v19;
	v26 =	vmul.f32 v11, v9  }
0x87: {  	v18 =	vadd.f32 v18, v3;
	v30 =	vadd.f32 v23, v4;
	v29 =	vld [tilespmem:s29+$0x0]  }
0x88: {  	v11 =	vld [tilespmem:s29+$0xFFFFFFF0];
	v22 =	vadd.f32 v19, v22;
	v23 =	vadd.f32 v26, v12;
	v26 =	vmul.f32 v13, v5  }
0x89: {  	v15 =	vadd.f32 v20, v15;
	v14 =	vadd.f32 v14, v18;
	v19 =	vmul.f32 v27, v7  }
.Ltmp4:
0x8a: {  	s25 =	sadd.s32 $0x20, s25;
	v12 =	vmul.f32 v27, v10;
	v13 =	vld [tilespmem:s28+$0xFFFFFFF0];
	v20 =	vadd.f32 v26, v23;
	[tilespmem:s22+$0xFFFFFFF0] =	vst v22;
	v17 =	vmin.f32 v17, v22;
	(pc) =	sbr.rel @p0 .LBB2_3-.Ltmp4, $4  }
0x8b: {  	v16 =	vadd.f32 v16, v15;
	v22 =	vmul.f32 v28, v6;
	v18 =	vld [tilespmem:s25+$0x0];
	v27 =	vmul.f32 v21, v7;
	[tilespmem:s22+$0x0] =	vst v14  }
0x8c: {  	v15 =	vmul.f32 v21, v10;
	v23 =	vld [tilespmem:s25+$0xFFFFFFF0];
	v31 =	vmul.f32 v29, v8;
	v30 =	vadd.f32 v20, v30  }
0x8d: {  	v21 =	vadd.f32 v16, v25;
	v20 =	vmul.f32 v29, v9;
	v26 =	vmul.f32 v11, v8  }
0x8e: {  	s30 =	sadd.s32 $0x20, s30;
	s29 =	sadd.s32 $0x20, s29;
	s28 =	sadd.s32 $0x20, s28;
	v16 =	vmul.f32 v28, v5;
	v25 =	vadd.f32 v31, v27;
	[tilespmem:s23+$0xFFFFFFF0] =	vst v30;
	v24 =	vmin.f32 v24, v30  }
0x8f: {  	v7 =	vadd.f32 v26, v19;
	v6 =	vmul.f32 v13, v6  }
0x90: {  	v9 =	vmul.f32 v11, v9;
	v8 =	vadd.f32 v22, v25;
	v10 =	vadd.f32 v18, v4  }
0x91: {  	v11 =	vadd.f32 v23, v3;
	v6 =	vadd.f32 v6, v7  }
0x92: {  	v5 =	vmul.f32 v13, v5;
	v4 =	vadd.f32 v23, v4;
	v7 =	vadd.f32 v9, v12  }
0x93: {  	v3 =	vadd.f32 v18, v3;
	v9 =	vadd.f32 v20, v15  }
0x94: {  	v6 =	vadd.f32 v6, v11;
	v5 =	vadd.f32 v5, v7  }
0x95: {  	v7 =	vmin.f32 v17, v14;
	v3 =	vadd.f32 v8, v3;
	v8 =	vadd.f32 v16, v9  }
0x96: {  	v7 =	vmin.f32 v7, v6;
	v4 =	vadd.f32 v5, v4  }
0x97: {  	v5 =	vmin.f32 v24, v21;
	v8 =	vadd.f32 v8, v10;
	v7 =	vmin.f32 v7, v3  }
0x98: {  	v5 =	vmin.f32 v5, v4;
	(xrf1) =	vsort.ascd.msk.f32 $0xffff, v7, v7  }
0x99: {  	v5 =	vmin.f32 v5, v8  }
0x9a: {  	(xrf1) =	vsort.ascd.msk.f32 $0xffff, v5, v5;
	_ =	sdelay $0x4  }
0x9b: {  	s22 =	sadd.s32 $0x20, s22;
	[tilespmem:s24+$0x0] =	vst v21  }
0x9c: {  	[tilespmem:s22+$0xFFFFFFF0] =	vst v6  }
0x9d: {  	s23 =	sadd.s32 $0x20, s23;
	[tilespmem:s22+$0x0] =	vst v3  }
0x9e: {  	[tilespmem:s23+$0xFFFFFFF0] =	vst v4  }
0x9f: {  	s24 =	simm.s32 $0x2C90;
	[tilespmem:s23+$0x0] =	vst v8  }
0xa0: {  	v10 =	vld [tilespmem:s24+$0xFFFFFFF0]  }
0xa1: {  	s25 =	simm.s32 $0x3090;
	v13 =	vld [tilespmem:s24+$0x0]  }
0xa2: {  	v12 =	vld [tilespmem:s25+$0xFFFFFFF0];
	v3, _, _ =	vpop (xrf1)  }
0xa3: {  	v4 =	vbroadcast v3, $0x9  }
0xa4: {  	v3, _, _ =	vpop (xrf1)  }
0xa5: {  	v3 =	vbroadcast v3, $0x9;
	vm1 =	vle.f32 v10, v4  }
0xa6: {  	v14 =	vld [tilespmem:s25+$0x0];
	vm2 =	vle.f32 v13, v4;
	v5 =	vmpcnt.ones.xlane vm1  }
0xa7: {  	s26 =	simm.s32 $0x2CB0;
	v6 =	vmpcnt.ones.xlane vm2;
	vm3 =	vle.f32 v12, v3  }
0xa8: {  	v17 =	vld [tilespmem:s26+$0xFFFFFFF0];
	v7 =	vmpcnt.ones.xlane vm3;
	(v2sf) =	vpush v5, $0x0  }
0xa9: {  	(v2sf) =	vpush v6, $0x0  }
0xaa: {  	v6 =	vld [tilespmem:s26+$0x0];
	(v2sf) =	vpush v7, $0x0  }
0xab: {  	s31 =	simm.s32 $0x30B0;
	vm4 =	vle.f32 v14, v3  }
0xac: {  	v19 =	vld [tilespmem:s31+$0xFFFFFFF0];
	v5 =	vmpcnt.ones.xlane vm4  }
0xad: {  	s24 =	simm.s32 $0x2CD0;
	vm5 =	vle.f32 v17, v4;
	v7 =	vld [tilespmem:s31+$0x0]  }
0xae: {  	v9 =	vld [tilespmem:s24+$0xFFFFFFF0];
	vm1 =	vmmov vm1;
	(v2sf) =	vpush v5, $0x0;
	v5 =	vmpcnt.ones.xlane vm5  }
0xaf: {  	vm2 =	vmmov vm2;
	vm6 =	vmmov vm4;
	vm4 =	vle.f32 v6, v4  }
0xb0: {  	s25 =	simm.s32 $0x30D0;
	vm10 =	vmmov vm5;
	(v2sf) =	vpush v5, $0x0;
	v5 =	vld [tilespmem:s24+$0x0];
	v8 =	vmpcnt.ones.xlane vm4  }
0xb1: {  	v11 =	vld [tilespmem:s25+$0xFFFFFFF0];
	vm7 =	vle.f32 v19, v3;
	vm8 =	vmmov vm1;
	vm1 =	vmmov vm2  }
0xb2: {  	v15 =	vmpcnt.ones.xlane vm7;
	vm9 =	vle.f32 v7, v3;
	(v2sf) =	vpush v8, $0x0;
	v8 =	vld [tilespmem:s25+$0x0]  }
0xb3: {  	s22 =	simm.s32 $0x0;
	v16 =	vmpcnt.ones.xlane vm9;
	vm5 =	vmmov vm9;
	vm9 =	vle.f32 v9, v4  }
0xb4: {  	[tilespmem:s22+$0x3480] =	vst.msk vm8, v10;
	vm2 =	vmmov vm6;
	s26 =	simm.s32 $0x0;
	v10 =	vmpcnt.ones.xlane vm9;
	(v2sf) =	vpush v15, $0x0  }
0xb5: {  	v15 =	vor.u32 s26, v0;
	vm11 =	vle.f32 v5, v4;
	(v2sf) =	vpush v16, $0x0  }
0xb6: {  	vm6 =	vmmov vm10;
	[tilespmem:s22+$0x3900] =	vst.msk vm8, v15;
	vm8 =	vle.f32 v11, v3;
	v16 =	vmpcnt.ones.xlane vm11  }
0xb7: {  	v18 =	vmpcnt.ones.xlane vm8;
	vm10 =	vle.f32 v8, v3;
	s31 =	spop (v2sf);
	(v2sf) =	vpush v10, $0x0  }
0xb8: {  	vm3 =	vmmov vm3;
	s25 =	simm.s32 $0x10;
	v20 =	vmpcnt.ones.xlane vm10;
	s26 =	spop (v2sf);
	(v2sf) =	vpush v16, $0x0  }
0xb9: {  	s23 =	simm.s32 $0x2CF0;
	vm3 =	vmmov vm3;
	v16 =	vor.u32 s25, v0;
	s25 =	spop (v2sf);
	(v2sf) =	vpush v18, $0x0  }
0xba: {  	[tilespmem:s22+$0x3D80] =	vst.msk vm3, v12;
	v12 =	vld [tilespmem:s23+$0xFFFFFFF0];
	s24 =	sadd.s32 $0x0, s31;
	(v2sf) =	vpush v20, $0x0  }
0xbb: {  	s28 =	simm.s32 $0x30F0;
	v10 =	vld [tilespmem:s23+$0x0];
	[tilespmem:s24+$0x3480] =	vst.msk vm1, v13  }
0xbc: {  	vm7 =	vmmov vm7;
	vm4 =	vmmov vm4;
	vm9 =	vmmov vm9;
	v13 =	vld [tilespmem:s28+$0xFFFFFFF0];
	s23 =	sadd.s32 $0x0, s25;
	[tilespmem:s24+$0x3900] =	vst.msk vm1, v16  }
0xbd: {  	vm4 =	vmmov vm4;
	vm5 =	vmmov vm5;
	vm9 =	vmmov vm9;
	s25 =	sadd.s32 s24, s26;
	[tilespmem:s23+$0x3D80] =	vst.msk vm2, v14;
	v14 =	vld [tilespmem:s28+$0x0]  }
0xbe: {  	s31 =	simm.s32 $0x20;
	vm1 =	vmmov vm11;
	vm11 =	vmmov vm3;
	vm3 =	vmmov vm7;
	[tilespmem:s25+$0x3480] =	vst.msk vm6, v17  }
0xbf: {  	s29 =	spop (v2sf);
	[tilespmem:s23+$0x4200] =	vst.msk vm2, v16;
	vm2 =	vmmov vm10;
	vm10 =	vle.f32 v12, v4;
	v16 =	vor.u32 s31, v0  }
0xc0: {  	vm7 =	vmmov vm8;
	s26 =	simm.s32 $0x6;
	s24 =	simm.s32 $0x30;
	s23 =	sadd.s32 s23, s29;
	vm8 =	vle.f32 v10, v4;
	v17 =	vmpcnt.ones.xlane vm10;
	[tilespmem:s25+$0x3900] =	vst.msk vm6, v16  }
0xc1: {  	s28 =	simm.s32 $0x2D10;
	s29 =	simm.s32 $0x3110;
	s30 =	spop (v2sf);
	v18 =	vmpcnt.ones.xlane vm8;
	vm10 =	vmmov vm10;
	vm6 =	vle.f32 v13, v3;
	[tilespmem:s23+$0x3D80] =	vst.msk vm3, v19  }
.LBB2_5:
0xc2: {  	v19 =	vld [tilespmem:s28+$0xFFFFFFF0];
	s26 =	sadd.s32 $0x2, s26;
	v20 =	vmpcnt.ones.xlane vm6;
	vm12 =	vle.f32 v14, v3;
	(v2sf) =	vpush v17, $0x0;
	s30 =	sadd.s32 s25, s30;
	s25 =	spop (v2sf);
	[tilespmem:s22+$0x4200] =	vst.msk vm11, v15;
	v15 =	vmovc v16  }
0xc3: {  	v17 =	vor.u32 s24, v0;
	p0 =	slt.u32 s26, $0x3E;
	v16 =	vmpcnt.ones.xlane vm12;
	(v2sf) =	vpush v18, $0x0;
	[tilespmem:s30+$0x3480] =	vst.msk vm4, v6;
	s25 =	sadd.s32 s30, s25;
	s22 =	spop (v2sf);
	v6 =	vmovc v5;
	v5 =	vmovc v10;
	v10 =	vld [tilespmem:s28+$0x0]  }
0xc4: {  	v21 =	vld [tilespmem:s29+$0xFFFFFFF0];
	(v2sf) =	vpush v20, $0x0;
	s31 =	sadd.s32 s23, s22;
	[tilespmem:s30+$0x3900] =	vst.msk vm4, v17;
	s30 =	spop (v2sf);
	vm4 =	vmmov vm1;
	vm1 =	vmmov vm8;
	s22 =	smov.u32 s23  }
.Ltmp5:
0xc5: {  	s24 =	sadd.s32 $0x20, s24;
	vm11 =	vmmov vm3;
	vm3 =	vmmov vm7;
	(v2sf) =	vpush v16, $0x0;
	[tilespmem:s31+$0x3D80] =	vst.msk vm5, v7;
	s23 =	sadd.s32 s31, s30;
	v7 =	vmovc v8;
	v8 =	vmovc v14;
	v14 =	vld [tilespmem:s29+$0x0];
	(pc) =	sbr.rel @p0 .LBB2_5-.Ltmp5, $4  }
0xc6: {  	vm7 =	vmmov vm6;
	s30 =	sadd.s32 $0xFFFFFFF0, s24;
	[tilespmem:s31+$0x4200] =	vst.msk vm5, v17;
	vm5 =	vmmov vm2;
	vm2 =	vmmov vm12  }
0xc7: {  	v16 =	vor.u32 s30, v0;
	vm12 =	vle.f32 v19, v4;
	[tilespmem:s25+$0x3480] =	vst.msk vm9, v9;
	v9 =	vmovc v12;
	v12 =	vmov v19  }
0xc8: {  	v17 =	vmpcnt.ones.xlane vm12;
	vm8 =	vle.f32 v10, v4;
	[tilespmem:s25+$0x3900] =	vst.msk vm9, v16;
	vm9 =	vmmov vm10  }
0xc9: {  	s28 =	sadd.s32 $0x20, s28;
	s29 =	sadd.s32 $0x20, s29;
	vm10 =	vmmov vm12;
	vm6 =	vle.f32 v21, v3;
	v18 =	vmpcnt.ones.xlane vm8;
	[tilespmem:s23+$0x3D80] =	vst.msk vm3, v11;
	s30 =	spop (v2sf);
	v11 =	vmovc v13;
	v13 =	vmovc v21  }
0xca: {  	v4 =	vmpcnt.ones.xlane vm6;
	(v2sf) =	vpush v17, $0x0;
	s25 =	sadd.s32 s25, s30;
	[tilespmem:s22+$0x4200] =	vst.msk vm11, v15  }
0xcb: {  	s26 =	spop (v2sf);
	vm3 =	vmmov vm3;
	(v2sf) =	vpush v18, $0x0;
	[tilespmem:s25+$0x3480] =	vst.msk vm4, v6  }
0xcc: {  	v63 =	vor.u32 s24, v0;
	s30 =	spop (v2sf);
	[tilespmem:s23+$0x4200] =	vst.msk vm3, v16;
	(v2sf) =	vpush v4, $0x0  }
0xcd: {  	s22 =	sadd.s32 s23, s30;
	[tilespmem:s25+$0x3900] =	vst.msk vm4, v63  }
0xce: {  	s24 =	sadd.s32 $0x20, s24;
	s25 =	sadd.s32 s25, s26;
	[tilespmem:s22+$0x3D80] =	vst.msk vm5, v7  }
0xcf: {  	s31 =	sadd.s32 $0xFFFFFFF0, s24;
	[tilespmem:s25+$0x3480] =	vst.msk vm9, v9  }
0xd0: {  	s28 =	spop (v2sf);
	v4 =	vor.u32 s31, v0;
	[tilespmem:s22+$0x4200] =	vst.msk vm5, v63  }
0xd1: {  	vm14 =	vmmov vm7;
	s22 =	sadd.s32 s22, s28;
	[tilespmem:s25+$0x3900] =	vst.msk vm9, v4  }
0xd2: {  	vm3 =	vmmov vm14;
	[tilespmem:s22+$0x3D80] =	vst.msk vm14, v11;
	s28 =	spop (v2sf)  }
0xd3: {  	vm1 =	vmmov vm1;
	[tilespmem:s22+$0x4200] =	vst.msk vm3, v4;
	s25 =	sadd.s32 s25, s28;
	s29 =	spop (v2sf)  }
0xd4: {  	v6 =	vor.u32 s24, v0;
	[tilespmem:s25+$0x3480] =	vst.msk vm1, v5;
	s30 =	spop (v2sf)  }
0xd5: {  	vm2 =	vmmov vm2;
	s23 =	sadd.s32 s22, s30;
	[tilespmem:s25+$0x3900] =	vst.msk vm1, v6  }
0xd6: {  	s24 =	sadd.s32 $0x20, s24;
	vm1 =	vmmov vm10;
	s25 =	sadd.s32 s25, s29;
	[tilespmem:s23+$0x3D80] =	vst.msk vm2, v8  }
0xd7: {  	s31 =	sadd.s32 $0xFFFFFFF0, s24;
	[tilespmem:s25+$0x3480] =	vst.msk vm1, v12  }
0xd8: {  	v5 =	vor.u32 s31, v0;
	s29 =	spop (v2sf);
	[tilespmem:s23+$0x4200] =	vst.msk vm2, v6;
	vm2 =	vmmov vm6  }
0xd9: {  	s23 =	sadd.s32 s23, s29;
	[tilespmem:s25+$0x3900] =	vst.msk vm1, v5;
	vm1 =	vmmov vm8;
	vm2 =	vmmov vm2;
	s30 =	spop (v2sf)  }
0xda: {  	vm15 =	vle.f32 v14, v3;
	vm1 =	vmmov vm1;
	[tilespmem:s23+$0x3D80] =	vst.msk vm2, v13;
	s25 =	sadd.s32 s25, s30;
	s31 =	spop (v2sf)  }
0xdb: {  	v3 =	vor.u32 s24, v0;
	vm3 =	vmmov vm15;
	[tilespmem:s25+$0x3480] =	vst.msk vm1, v10;
	s24 =	spop (v2sf)  }
0xdc: {  	vm3 =	vmmov vm3;
	s24 =	sadd.s32 s23, s24;
	[tilespmem:s25+$0x3900] =	vst.msk vm1, v3  }
0xdd: {  	vm1 =	vmmov vm2;
	[tilespmem:s24+$0x3D80] =	vst.msk vm3, v14  }
0xde: {  	[tilespmem:s23+$0x4200] =	vst.msk vm1, v5  }
0xdf: {  	s26 =	sadd.s32 s25, s31;
	[tilespmem:s24+$0x4200] =	vst.msk vm3, v3  }
0xe0: {  	[tilespmem:s26+$0x3480] =	vst v1  }
0xe1: {  	[tilespmem:s26+$0x3900] =	vst v0  }
0xe2: {  	v3 =	vld [tilespmem:$0x3480]  }
0xe3: {  	v4 =	vld [tilespmem:$0x3900]  }
0xe4: {  	v5 =	vmpcnt.ones.xlane vm15;
	_ =	sdelay $0x1  }
0xe5: {  	(v2sf) =	vpush v5, $0x0;
	_ =	sdelay $0x1  }
0xe6: {  	(xrf1) =	vsort.ascd.msk.f32 $0xffff, v3, v4;
	_ =	sdelay $0x1  }
0xe7: {  	s22 =	sadd.s32 $0xF, s26  }
0xe8: {  	s28 =	sand.u32 $0xF, s22  }
0xe9: {  	s29 =	sshra.s32 s22, $0x1F;
	p0 =	slt.s32 s22, $0x1;
	p1 =	sne.s32 s28, $0x0  }
0xea: {  	s30 =	sshrl.u32 s29, $0x1C;
	p0 =	por !p0, !p1  }
0xeb: {  	s23 =	simm.s32 $0x1;
	s22 =	sadd.s32 s30, s22;
	p0 =	por !p0, !p0  }
0xec: {  	s22 =	sshra.s32 s22, $0x4;
	s23 =	simm.s32 @!p0 $0x0  }
0xed: {  	s23 =	ssub.s32 s22, s23  }
0xee: {  	p1 =	slt.s32 s23, $0x2  }
.Ltmp6:
0xef: {  	_ = 	snop;
	(pc) =	sbr.rel @p1 .LBB2_14-.Ltmp6, $3  }
0xf0: {  	_ =	sdelay $0x1  }
0xf1: {  	s31 =	spop (v2sf)  }
0xf2: {  	s23 =	sadd.s32 s24, s31;
	v4, v3, _ =	vpop (xrf1)  }
0xf3: {  	s24 =	simm.s32 $0xFFFFFFFF  }
0xf4: {  	s24 =	simm.s32 @!p0 $0x0  }
0xf5: {  	s22 =	sadd.s32 s24, s22  }
0xf6: {  	s22 =	sadd.s32 $0xFFFFFFFF, s22  }
0xf7: {  	p2 =	sne.s32 s22, $0x1  }
.Ltmp7:
0xf8: {  	_ = 	snop;
	(pc) =	sbr.rel @!p2 .LBB2_8-.Ltmp7, $4  }
0xf9: {  	_ = 	snop  }
0xfa: {  	s31 =	simm.s32 $0x3490  }
0xfb: {  	s25 =	simm.s32 $0x3910;
	v5 =	vld [tilespmem:s31+$0x0]  }
0xfc: {  	p1 =	por $0x0, $0x0;
	v6 =	vld [tilespmem:s25+$0x0];
	p0 =	por $0x0, $0x0;
	s22 =	sadd.s32 $0xFFFFFFFF, s22  }
0xfd: {  	p2 =	sne.s32 s22, $0x1  }
.Ltmp8:
0xfe: {  	_ = 	snop;
	(pc) =	sbr.rel @!p2 .LBB2_10-.Ltmp8, $4  }
0xff: {  	_ = 	snop  }
0x100: {  	s24 =	simm.s32 $0x34A0  }
0x101: {  	s31 =	simm.s32 $0x3920;
	(xrf1) =	vsort.ascd.msk.f32 $0xffff, v5, v6;
	v5 =	vld [tilespmem:s24+$0x0]  }
0x102: {  	s25 =	sadd.s32 $0xFFFFFFFF, s22;
	p0 =	por $0x1, $0x1;
	v6 =	vld [tilespmem:s31+$0x0]  }
0x103: {  	_ =	sdelay $0xb  }
0x104: {  	v7, v8, _ =	vpop (xrf1)  }
0x105: {  	v7 =	vperm.xlane v7, v2  }
0x106: {  	v8 =	vperm.xlane v8, v2  }
0x107: {  	(xrf1) =	vsort.ascd.msk.f32 $0xffff, v5, v6;
	vm1 =	vle.f32 v4, v7  }
0x108: {  	v6 =	vmin.f32 v4, v7;
	v7 =	vsel vm1, v3, v8  }
0x109: {  	(xrf1) =	vsort.ascd.msk.f32 $0xffff, v6, v7;
	_ =	sdelay $0x4  }
0x10a: {  	p2 =	sne.s32 s25, $0x1  }
.Ltmp9:
0x10b: {  	_ = 	snop;
	(pc) =	sbr.rel @!p2 .LBB2_13-.Ltmp9, $4  }
0x10c: {  	_ = 	snop  }
0x10d: {  	s22 =	simm.s32 $0x34B0  }
0x10e: {  	s24 =	simm.s32 $0x3930;
	v5 =	vld [tilespmem:s22+$0x0]  }
0x10f: {  	s25 =	sadd.s32 $0xFFFFFFFF, s25;
	p1 =	por $0x1, $0x1;
	v6 =	vld [tilespmem:s24+$0x0]  }
.LBB2_12:
0x110: {  	p2 =	sne.s32 s25, $0x1  }
0x111: {  	v7, v8, _ =	vpop (xrf1)  }
0x112: {  	v7 =	vperm.xlane v7, v2  }
0x113: {  	v8 =	vperm.xlane v8, v2;
	v10, v9, _ =	vpop (xrf1)  }
0x114: {  	(xrf1) =	vsort.ascd.msk.f32 $0xffff, v5, v6;
	vm1 =	vle.f32 v10, v7  }
0x115: {  	v5 =	vmin.f32 v10, v7;
	v6 =	vsel vm1, v9, v8  }
0x116: {  	(xrf1) =	vsort.ascd.msk.f32 $0xffff, v5, v6;
	_ =	sdelay $0x5  }
.Ltmp10:
0x117: {  	(pc) =	sbr.rel @p2 .LBB2_12-.Ltmp10, $4  }
0x118: {  	_ = 	snop  }
0x119: {  	s22 =	sadd.s32 $0x10, s22  }
0x11a: {  	s24 =	sadd.s32 $0x10, s24;
	v5 =	vld [tilespmem:s22+$0x0]  }
0x11b: {  	s25 =	sadd.s32 $0xFFFFFFFF, s25;
	v6 =	vld [tilespmem:s24+$0x0]  }
.LBB2_13:
0x11c: {  	_ =	sdelay $0x1  }
0x11d: {  	v7, v8, _ =	vpop @p0 (xrf1)  }
0x11e: {  	v7 =	vperm.xlane @p0 v7, v2;
	v9, v10, _ =	vpop @p1 (xrf1)  }
0x11f: {  	v8 =	vperm.xlane @p0 v8, v2;
	v9 =	vpsel p1, v9, v4  }
0x120: {  	v10 =	vpsel p1, v10, v3;
	vm1 =	vle.f32 @p0 v9, v7  }
0x121: {  	(xrf1) =	vsort.ascd.msk.f32 $0xffff, v5, v6;
	v5 =	vmin.f32 @p0 v9, v7;
	v6 =	vsel @p0 vm1, v10, v8  }
0x122: {  	(xrf1) =	vsort.ascd.msk.f32 @p0 $0xffff, v5, v6;
	_ =	sdelay $0xc  }
0x123: {  	v5, v6, _ =	vpop (xrf1)  }
0x124: {  	v5 =	vperm.xlane v5, v2;
	v7, v8, _ =	vpop @p0 (xrf1)  }
0x125: {  	v6 =	vperm.xlane v6, v2;
	v4 =	vpsel p0, v7, v4  }
0x126: {  	v3 =	vpsel p0, v8, v3;
	vm1 =	vle.f32 v4, v5  }
0x127: {  	v4 =	vmin.f32 v4, v5;
	v3 =	vsel vm1, v3, v6  }
0x128: {  	(xrf1) =	vsort.ascd.msk.f32 $0xffff, v4, v3;
	_ =	sdelay $0xd  }
0x129: {  	v4, v3, _ =	vpop (xrf1)  }
.LBB2_14:
0x12a: {  	_ =	sdelay $0x3  }
0x12b: {  	v5 =	vld.idx.msk [tilespmem:v3+s16+$0x0], $0xffff;
	_ =	sdelay $0x4  }
0x12c: {  	(erf) = vrcp.f32 v5;
	_ =	sdelay $0x6  }
0x12d: {  	v4 =	vmax.f32 v4, $0.0e+00  }
0x12e: {  	v4 =	vmul.f32 $-5.000000000e-01, v4  }
0x12f: {  	v5 =	vpop (erf)  }
0x130: {  	v4 =	vmul.f32 v5, v4;
	_ =	sdelay $0x1  }
0x131: {  	v4 =	vmul.f32 $1.442695020e+00, v4;
	_ =	sdelay $0x1  }
0x132: {  	(erf) = vpow2.f32 v4;
	_ =	sdelay $0x8  }
0x133: {  	v4 =	vpop (erf)  }
0x134: {  	v4 =	vnsel vm0, $0x0, v4  }
0x135: {  	(xrf2) =	vadd.scan.msk.f32 $0xffff, v4;
	_ =	sdelay $0x9  }
0x136: {  	v5, _, _ =	vpop (xrf2)  }
0x137: {  	(v2sf) =	vpush v5, $0xF;
	_ =	sdelay $0xe  }
0x138: {  	s22 =	spop (v2sf)  }
0x139: {  	s22 =	sadd.f32 $9.999999930e-09, s22;
	_ =	sdelay $0x1  }
0x13a: {  	v5 =	vmov s22  }
0x13b: {  	(erf) = vrcp.f32 v5;
	_ =	sdelay $0x8  }
0x13c: {  	s22 =	smul.u32 $0x14, s21;
	v5 =	vpop (erf)  }
0x13d: {  	v4 =	vmul.f32 v5, v4  }
0x13e: {  	[tilespmem:s22+$0x9700] =	vst v3  }
0x13f: {  	[tilespmem:s22+$0x4680] =	vst v4  }
0x140: {  	[tilespmem:s23+$0x3D80] =	vst v1  }
0x141: {  	[tilespmem:s23+$0x4200] =	vst v0  }
0x142: {  	v3 =	vld [tilespmem:$0x3D80]  }
0x143: {  	v4 =	vld [tilespmem:$0x4200];
	_ =	sdelay $0x4  }
0x144: {  	(xrf1) =	vsort.ascd.msk.f32 $0xffff, v3, v4;
	_ =	sdelay $0x1  }
0x145: {  	s30 =	sadd.s32 $0xF, s23  }
0x146: {  	s24 =	sand.u32 $0xF, s30  }
0x147: {  	s31 =	sshra.s32 s30, $0x1F;
	p1 =	slt.s32 s30, $0x1;
	p0 =	sne.s32 s24, $0x0  }
0x148: {  	s24 =	sshrl.u32 s31, $0x1C;
	p0 =	por !p1, !p0  }
0x149: {  	p0 =	por !p0, !p0;
	s23 =	sadd.s32 s24, s30;
	s24 =	simm.s32 $0x1  }
0x14a: {  	s23 =	sshra.s32 s23, $0x4;
	s24 =	simm.s32 @!p0 $0x0  }
0x14b: {  	s24 =	ssub.s32 s23, s24  }
0x14c: {  	p1 =	slt.s32 s24, $0x2  }
.Ltmp11:
0x14d: {  	_ = 	snop;
	(pc) =	sbr.rel @p1 .LBB2_22-.Ltmp11, $2  }
0x14e: {  	_ =	sdelay $0x2  }
0x14f: {  	v4, v3, _ =	vpop (xrf1)  }
0x150: {  	s24 =	simm.s32 $0xFFFFFFFF  }
0x151: {  	s24 =	simm.s32 @!p0 $0x0  }
0x152: {  	s23 =	sadd.s32 s24, s23  }
0x153: {  	s23 =	sadd.s32 $0xFFFFFFFF, s23  }
0x154: {  	p2 =	sne.s32 s23, $0x1  }
.Ltmp12:
0x155: {  	_ = 	snop;
	(pc) =	sbr.rel @!p2 .LBB2_16-.Ltmp12, $4  }
0x156: {  	_ = 	snop  }
0x157: {  	s31 =	simm.s32 $0x3D90  }
0x158: {  	s25 =	simm.s32 $0x4210;
	v5 =	vld [tilespmem:s31+$0x0]  }
0x159: {  	p1 =	por $0x0, $0x0;
	v6 =	vld [tilespmem:s25+$0x0];
	p0 =	por $0x0, $0x0;
	s23 =	sadd.s32 $0xFFFFFFFF, s23  }
0x15a: {  	_ =	sdelay $0x3  }
0x15b: {  	(xrf1) =	vsort.ascd.msk.f32 $0xffff, v5, v6;
	_ =	sdelay $0x7  }
0x15c: {  	p2 =	sne.s32 s23, $0x1  }
.Ltmp13:
0x15d: {  	_ = 	snop;
	(pc) =	sbr.rel @!p2 .LBB2_18-.Ltmp13, $4  }
0x15e: {  	_ = 	snop  }
0x15f: {  	s24 =	simm.s32 $0x3DA0  }
0x160: {  	s31 =	simm.s32 $0x4220;
	v5 =	vld [tilespmem:s24+$0x0]  }
0x161: {  	s25 =	sadd.s32 $0xFFFFFFFF, s23;
	p0 =	por $0x1, $0x1;
	v6 =	vld [tilespmem:s31+$0x0]  }
0x162: {  	v7, v8, _ =	vpop (xrf1)  }
0x163: {  	v7 =	vperm.xlane v7, v2  }
0x164: {  	v8 =	vperm.xlane v8, v2  }
0x165: {  	vm1 =	vle.f32 v4, v7  }
0x166: {  	(xrf1) =	vsort.ascd.msk.f32 $0xffff, v5, v6;
	v6 =	vmin.f32 v4, v7;
	v7 =	vsel vm1, v3, v8  }
0x167: {  	(xrf1) =	vsort.ascd.msk.f32 $0xffff, v6, v7;
	_ =	sdelay $0x6  }
0x168: {  	p2 =	sne.s32 s25, $0x1  }
.Ltmp14:
0x169: {  	_ = 	snop;
	(pc) =	sbr.rel @!p2 .LBB2_21-.Ltmp14, $4  }
0x16a: {  	_ = 	snop  }
0x16b: {  	s23 =	simm.s32 $0x3DB0  }
0x16c: {  	s24 =	simm.s32 $0x4230;
	v5 =	vld [tilespmem:s23+$0x0]  }
0x16d: {  	s25 =	sadd.s32 $0xFFFFFFFF, s25;
	p1 =	por $0x1, $0x1;
	v6 =	vld [tilespmem:s24+$0x0]  }
.LBB2_20:
0x16e: {  	p2 =	sne.s32 s25, $0x1  }
0x16f: {  	v7, v8, _ =	vpop (xrf1)  }
0x170: {  	v7 =	vperm.xlane v7, v2  }
0x171: {  	v8 =	vperm.xlane v8, v2;
	v10, v9, _ =	vpop (xrf1)  }
0x172: {  	(xrf1) =	vsort.ascd.msk.f32 $0xffff, v5, v6;
	vm1 =	vle.f32 v10, v7  }
0x173: {  	v5 =	vmin.f32 v10, v7;
	v6 =	vsel vm1, v9, v8  }
0x174: {  	(xrf1) =	vsort.ascd.msk.f32 $0xffff, v5, v6;
	_ =	sdelay $0x5  }
.Ltmp15:
0x175: {  	(pc) =	sbr.rel @p2 .LBB2_20-.Ltmp15, $4  }
0x176: {  	_ = 	snop  }
0x177: {  	s23 =	sadd.s32 $0x10, s23  }
0x178: {  	s24 =	sadd.s32 $0x10, s24;
	v5 =	vld [tilespmem:s23+$0x0]  }
0x179: {  	s25 =	sadd.s32 $0xFFFFFFFF, s25;
	v6 =	vld [tilespmem:s24+$0x0]  }
.Ltmp16:
0x17a: {  	_ = 	snop;
	(pc) =	sbr.rel .LBB2_21-.Ltmp16, $1  }
0x17b: {  	_ =	sdelay $0x3  }
.LBB2_8:
.Ltmp17:
0x17c: {  	(pc) =	sbr.rel .LBB2_13-.Ltmp17, $2  }
0x17d: {  	_ =	sdelay $0x2  }
0x17e: {  	_ = 	snop  }
.LBB2_10:
.Ltmp18:
0x17f: {  	(pc) =	sbr.rel .LBB2_13-.Ltmp18, $2  }
0x180: {  	_ =	sdelay $0x2  }
0x181: {  	_ = 	snop  }
.LBB2_18:
.Ltmp19:
0x182: {  	(pc) =	sbr.rel .LBB2_21-.Ltmp19, $2  }
0x183: {  	_ =	sdelay $0x2  }
0x184: {  	_ = 	snop  }
.LBB2_24:
0x185: {  	_ =	sfence.sel $0x180000  }
0x186: {  	[bflag:$0x0] =	sbarrier.arrive $0xFFFF  }
0x187: {  	p0 =	sne.s32 s1, $0x0;
	_ =	strace $0x90000047  }
0x188: {  	s0 =	sadd.s32 @!p0 $0x100000, s0;
	[bflag:$0x2] =	sbarrier.arrive $0xFFFF  }
0x189: {  	[sflag:s0] =	ssyncadd.tile.s32 @!p0 $0x1;
	_ =	shalt  }
.Lfunc_end2:
_tile_overlayer_lowered:
.L_overlay_start_2:
0x18a: {  	(tag) =	ssettag $0x2  }
0x18b: {  	s0 =	rddreg [dreg:$0x0];
	s2 =	stileid.u32  }
0x18c: {  	s1 =	rddreg [dreg:$0x1];
	p0 =	sne.s32 s2, $0x0  }
0x18d: {  	s3 =	rddreg [dreg:$0x2];
	[bflag:$0x3] =	sbarrier.arrive $0xFFFF;
	s2 =	simm.s32 @!p0 $0x1C01  }
0x18e: {  	[timem:s3], [sflag:s2] =	dma.local @!p0 [hbm:s0], s1  }
0x18f: {  	s0 =	simm.s32 @!p0 $0x1  }
0x190: {  	_ =	swait.ge @!p0 [sflag:s0], s1  }
0x191: {  	s1 =	ssub.s32 @!p0 $0x0, s1;
	[sflag:s0] =	ssyncset.done @!p0 $0x0  }
0x192: {  	[sflag:s0] =	ssyncadd.s32 @!p0 s1  }
0x193: {  	[bflag:$0x3] =	sbarrier.arrive $0xFFFF  }
0x194: {  	_ =	shalt  }

</sc_bundles>
